<compile_context>
chip_gen: v7x
topology: tpu7x:2x2x1
jax: 0.10.2.dev20260603
libtpu: 0.0.44.dev20260713+nightly
codegen_flags: <defaults>
</compile_context>

<pallas_src>
import functools

import numpy as np
import jax
import jax.numpy as jnp
from jax import lax
from jax.experimental import pallas as pl
from jax.experimental.pallas import tpu as pltpu
from jax.experimental.pallas import tpu_sc as plsc

NC = 2
NS = 16
NW = NC * NS
K = 128
FRAC0 = 0.500


def _sc_agg(h, edge3d, zblk, npad, nch8, cmax8, t0c, b0, r0, b1, r1):
    n, d = h.shape
    rpt = npad // NS

    mesh = plsc.VectorSubcoreMesh(
        core_axis_name="c", subcore_axis_name="s",
        num_cores=NC, num_subcores=NS)

    @functools.partial(
        pl.kernel,
        out_type=jax.ShapeDtypeStruct((NC, npad, d), jnp.float32),
        mesh=mesh,
        scratch_types=[
            pltpu.VMEM((cmax8, K), jnp.int32),
            pltpu.VMEM((cmax8, K), jnp.int32),
            pltpu.VMEM((K, d), jnp.float32),
            pltpu.VMEM_SHARED((npad, d), jnp.float32),
            pltpu.SemaphoreType.DMA,
        ],
    )
    def agg(h_hbm, e_hbm, z_hbm, out_hbm, src_v, dst_v, rows_v, acc, sem):
        c = lax.axis_index("c")
        s = lax.axis_index("s")
        pltpu.sync_copy(z_hbm, acc.at[pl.ds(s * rpt, rpt)])
        b = jnp.where(c == 0, b0, b1)
        r = jnp.where(c == 0, r0, r1)
        cw = b + (s < r).astype(jnp.int32)
        off = (jnp.where(c == 0, 0, t0c) + s * b
               + jnp.minimum(s, r))
        astart = jnp.minimum((off // 8) * 8, nch8 - cmax8)
        rem = off - astart
        pltpu.sync_copy(e_hbm.at[0].at[pl.ds(astart, cmax8)], src_v)
        pltpu.sync_copy(e_hbm.at[1].at[pl.ds(astart, cmax8)], dst_v)
        plsc.subcore_barrier()

        def chunk(j, carry):
            pltpu.async_copy(h_hbm.at[src_v.at[j + rem]], rows_v, sem).wait()
            pltpu.sync_copy(rows_v, acc.at[dst_v.at[j + rem]], add=True)
            return carry

        lax.fori_loop(0, cw, chunk, 0, unroll=False)
        plsc.subcore_barrier()
        pltpu.sync_copy(acc.at[pl.ds(s * rpt, rpt)],
                        out_hbm.at[c].at[pl.ds(s * rpt, rpt)])

    return agg(h, edge3d, zblk)


def _mlp_body(n, h_ref, p_ref, wa_ref, ba_ref, wb_ref, bb_ref,
              y_ref, sum_ref, sq_ref):
    i = pl.program_id(0)
    z = h_ref[...] + p_ref[0] + p_ref[1]
    z = jnp.maximum(
        jnp.dot(z, wa_ref[...], preferred_element_type=jnp.float32)
        + ba_ref[...], 0.0)
    y = (jnp.dot(z, wb_ref[...], preferred_element_type=jnp.float32)
         + bb_ref[...])
    y_ref[...] = y

    @pl.when(i == 0)
    def _():
        sum_ref[...] = jnp.zeros_like(sum_ref)
        sq_ref[...] = jnp.zeros_like(sq_ref)

    sum_ref[...] += jnp.sum(y, axis=0, keepdims=True)
    sq_ref[...] += jnp.sum(y * y, axis=0, keepdims=True)


def _mlp_stats(h, parts, wa, ba, wb, bb, blk):
    n, d = h.shape
    hh = wb.shape[1]
    nblk = n // blk
    return pl.pallas_call(
        functools.partial(_mlp_body, n),
        grid=(nblk,),
        in_specs=[
            pl.BlockSpec((blk, d), lambda i: (i, 0)),
            pl.BlockSpec((NC, blk, d), lambda i: (0, i, 0)),
            pl.BlockSpec((d, hh), lambda i: (0, 0)),
            pl.BlockSpec((1, hh), lambda i: (0, 0)),
            pl.BlockSpec((hh, hh), lambda i: (0, 0)),
            pl.BlockSpec((1, hh), lambda i: (0, 0)),
        ],
        out_specs=[
            pl.BlockSpec((blk, hh), lambda i: (i, 0)),
            pl.BlockSpec((1, hh), lambda i: (0, 0)),
            pl.BlockSpec((1, hh), lambda i: (0, 0)),
        ],
        out_shape=[
            jax.ShapeDtypeStruct((n, hh), jnp.float32),
            jax.ShapeDtypeStruct((1, hh), jnp.float32),
            jax.ShapeDtypeStruct((1, hh), jnp.float32),
        ],
    )(h, parts, wa, ba, wb, bb)


def _bn_body(n, y_ref, sum_ref, sq_ref, g_ref, be_ref, o_ref):
    mean = sum_ref[...] / n
    var = sq_ref[...] / n - mean * mean
    scale = lax.rsqrt(var + 1e-5) * g_ref[...]
    o_ref[...] = jnp.maximum((y_ref[...] - mean) * scale + be_ref[...], 0.0)


def _bn_relu(y, s, q, g, be, blk):
    n, hh = y.shape
    return pl.pallas_call(
        functools.partial(_bn_body, n),
        grid=(n // blk,),
        in_specs=[
            pl.BlockSpec((blk, hh), lambda i: (i, 0)),
            pl.BlockSpec((1, hh), lambda i: (0, 0)),
            pl.BlockSpec((1, hh), lambda i: (0, 0)),
            pl.BlockSpec((1, hh), lambda i: (0, 0)),
            pl.BlockSpec((1, hh), lambda i: (0, 0)),
        ],
        out_specs=pl.BlockSpec((blk, hh), lambda i: (i, 0)),
        out_shape=jax.ShapeDtypeStruct((n, hh), jnp.float32),
    )(y, s, q, g, be)


def _pool_body(n, g, nblk, y_ref, sum_ref, sq_ref, g2_ref, be_ref, b_ref,
               w5_ref, b5_ref, o_ref, acc_ref, cnt_ref):
    i = pl.program_id(0)

    @pl.when(i == 0)
    def _():
        acc_ref[...] = jnp.zeros_like(acc_ref)
        cnt_ref[...] = jnp.zeros_like(cnt_ref)

    mean = sum_ref[...] / n
    var = sq_ref[...] / n - mean * mean
    scale = lax.rsqrt(var + 1e-5) * g2_ref[...]
    h = jnp.maximum((y_ref[...] - mean) * scale + be_ref[...], 0.0)

    mask = (b_ref[...] == lax.broadcasted_iota(jnp.int32, (1, g), 1)
            ).astype(jnp.float32)
    acc_ref[...] += lax.dot_general(mask, h, (((0,), (0,)), ((), ())))
    cnt_ref[...] += jnp.sum(mask, axis=0, keepdims=True)

    @pl.when(i == nblk - 1)
    def _():
        pooled = acc_ref[...] / jnp.maximum(cnt_ref[...], 1.0).reshape(g, 1)
        logits = (jnp.dot(pooled, w5_ref[...],
                          preferred_element_type=jnp.float32) + b5_ref[...])
        m = jnp.max(logits, axis=1, keepdims=True)
        lse = jnp.log(jnp.sum(jnp.exp(logits - m), axis=1, keepdims=True)) + m
        o_ref[...] = logits - lse


def _pool_classify(y, s, q, g2, be2, batch2d, w5p, b5p, g, blk):
    n, hh = y.shape
    cp = w5p.shape[1]
    nblk = n // blk
    return pl.pallas_call(
        functools.partial(_pool_body, n, g, nblk),
        grid=(nblk,),
        in_specs=[
            pl.BlockSpec((blk, hh), lambda i: (i, 0)),
            pl.BlockSpec((1, hh), lambda i: (0, 0)),
            pl.BlockSpec((1, hh), lambda i: (0, 0)),
            pl.BlockSpec((1, hh), lambda i: (0, 0)),
            pl.BlockSpec((1, hh), lambda i: (0, 0)),
            pl.BlockSpec((blk, 1), lambda i: (i, 0)),
            pl.BlockSpec((hh, cp), lambda i: (0, 0)),
            pl.BlockSpec((1, cp), lambda i: (0, 0)),
        ],
        out_specs=pl.BlockSpec((g, cp), lambda i: (0, 0)),
        out_shape=jax.ShapeDtypeStruct((g, cp), jnp.float32),
        scratch_shapes=[
            pltpu.VMEM((g, hh), jnp.float32),
            pltpu.VMEM((1, g), jnp.float32),
        ],
    )(y, s, q, g2, be2, batch2d, w5p, b5p)


def kernel(x, edge_index, batch, W1, b1, W2, b2, g1, be1, W3, b3, W4, b4,
           g2, be2, W5, b5):
    n, d = x.shape
    e = edge_index.shape[1]
    g = 64
    blk = 2000

    nch = -(-e // K)
    nch8 = -(-nch // 8) * 8
    if e != nch8 * K:
        pad = nch8 * K - e
        edge_index = jnp.concatenate(
            [edge_index,
             jnp.stack([jnp.zeros((pad,), jnp.int32),
                        jnp.full((pad,), n, jnp.int32)])], axis=1)
    edge3d = edge_index.reshape(2, nch8, K)
    t0c = min(nch - 1, max(1, int(round(FRAC0 * nch))))
    cb0, cr0 = divmod(t0c, NS)
    cb1, cr1 = divmod(nch - t0c, NS)
    cmax8 = -(-(max(cb0, cb1) + 1 + 7) // 8) * 8
    npad = ((n + NS * 8 - 1) // (NS * 8)) * (NS * 8)
    if npad == n:
        npad += NS * 8
    zblk = jnp.zeros((npad // NS, d), jnp.float32)

    batch2d = batch.reshape(n, 1)
    cpad = 128
    c = W5.shape[1]
    w5p = jnp.pad(W5, ((0, 0), (0, cpad - c)))
    b5p = jnp.pad(b5, (0, cpad - c), constant_values=-1e30).reshape(1, cpad)

    p1 = _sc_agg(x, edge3d, zblk, npad, nch8, cmax8, t0c, cb0, cr0, cb1, cr1)
    y1, s1, q1 = _mlp_stats(x, p1, W1, b1.reshape(1, -1),
                            W2, b2.reshape(1, -1), blk)
    h1 = _bn_relu(y1, s1, q1, g1.reshape(1, -1), be1.reshape(1, -1), blk)

    p2 = _sc_agg(h1, edge3d, zblk, npad, nch8, cmax8, t0c, cb0, cr0, cb1, cr1)
    y2, s2, q2 = _mlp_stats(h1, p2, W3, b3.reshape(1, -1),
                            W4, b4.reshape(1, -1), blk)

    out = _pool_classify(y2, s2, q2, g2.reshape(1, -1), be2.reshape(1, -1),
                         batch2d, w5p, b5p, g, blk)
    return out[:, :c]

# --- scband reference (transcript-rebuilt; emitter-appended) ---
"""Pipeline reference for scband-simple-gcn-16054587752866 (READ-ONLY COPY).

The authoritative reference and input builder live on the scoring server;
editing this copy changes nothing except your own understanding.
"""

import jax, jax.numpy as jnp
import numpy as np

N = 10000
E = 320000
D = 128
H = 128
C = 16
G = 64


def setup_inputs(seed: int = 0) -> dict:
    key = jax.random.key(seed)
    ks = jax.random.split(key, 20)
    x = jax.random.normal(ks[0], (N, D), dtype=jnp.float32)
    edge_index = jax.random.randint(ks[1], (2, E), 0, N, dtype=jnp.int32)
    batch = jnp.sort(jax.random.randint(ks[2], (N,), 0, G, dtype=jnp.int32))
    s = 0.05
    W1 = jax.random.normal(ks[3], (D, H), dtype=jnp.float32) * s
    b1 = jnp.zeros((H,), dtype=jnp.float32)
    W2 = jax.random.normal(ks[4], (H, H), dtype=jnp.float32) * s
    b2 = jnp.zeros((H,), dtype=jnp.float32)
    g1 = jnp.ones((H,), dtype=jnp.float32)
    be1 = jnp.zeros((H,), dtype=jnp.float32)
    W3 = jax.random.normal(ks[5], (H, H), dtype=jnp.float32) * s
    b3 = jnp.zeros((H,), dtype=jnp.float32)
    W4 = jax.random.normal(ks[6], (H, H), dtype=jnp.float32) * s
    b4 = jnp.zeros((H,), dtype=jnp.float32)
    g2 = jnp.ones((H,), dtype=jnp.float32)
    be2 = jnp.zeros((H,), dtype=jnp.float32)
    W5 = jax.random.normal(ks[7], (H, C), dtype=jnp.float32) * s
    b5 = jnp.zeros((C,), dtype=jnp.float32)
    return {"x": x, "edge_index": edge_index, "batch": batch,
            "W1": W1, "b1": b1, "W2": W2, "b2": b2, "g1": g1, "be1": be1,
            "W3": W3, "b3": b3, "W4": W4, "b4": b4, "g2": g2, "be2": be2,
            "W5": W5, "b5": b5}


def reference(x, edge_index, batch, W1, b1, W2, b2, g1, be1, W3, b3, W4, b4, g2, be2, W5, b5):
    src = edge_index[0]
    dst = edge_index[1]

    def gin_conv(h, Wa, ba, Wb, bb):
        # GINConv with eps=0: MLP((1+eps)*x + sum_{j in N(i)} x_j)
        agg = jnp.zeros_like(h).at[dst].add(h[src])
        z = h + agg
        z = z @ Wa + ba
        z = jax.nn.relu(z)
        z = z @ Wb + bb
        return z

    def batch_norm(h, gamma, beta):
        mean = jnp.mean(h, axis=0)
        var = jnp.var(h, axis=0)
        return (h - mean) / jnp.sqrt(var + 1e-5) * gamma + beta

    h = gin_conv(x, W1, b1, W2, b2)
    h = batch_norm(h, g1, be1)
    h = jax.nn.relu(h)
    h = gin_conv(h, W3, b3, W4, b4)
    h = batch_norm(h, g2, be2)
    h = jax.nn.relu(h)
    # global mean pool over graphs
    sums = jax.ops.segment_sum(h, batch, num_segments=G)
    counts = jax.ops.segment_sum(jnp.ones((h.shape[0], 1), dtype=h.dtype), batch, num_segments=G)
    pooled = sums / jnp.maximum(counts, 1.0)
    out = pooled @ W5 + b5
    return jax.nn.log_softmax(out, axis=1)

if __name__ == "__main__":
    import jax
    _d = setup_inputs()
    print(jax.jit(kernel)(*tuple(_d.values())))

</pallas_src>

<mosaic_0001>
#map = affine_map<(d0, d1) -> (0, 0)>
#map1 = affine_map<(d0, d1) -> (0, 0, 0)>
module attributes {stable_mosaic.version = 14 : i64} {
  func.func @agg(%arg0: i32, %arg1: i32, %arg2: memref<10000x128xf32, #tpu.memory_space<hbm>>, %arg3: memref<2x2504x128xi32, #tpu.memory_space<hbm>>, %arg4: memref<632x128xf32, #tpu.memory_space<hbm>>, %arg5: memref<2x10112x128xf32, #tpu.memory_space<hbm>>, %arg6: memref<88x128xi32, #tpu.memory_space<vmem>>, %arg7: memref<88x128xi32, #tpu.memory_space<vmem>>, %arg8: memref<128x128xf32, #tpu.memory_space<vmem>>, %arg9: memref<10112x128xf32, #tpu.memory_space<vmem_shared>>, %arg10: memref<!tpu.dma_semaphore, #tpu.memory_space<semaphore_mem>>) attributes {dimension_semantics = [#tpu.dimension_semantics<core_parallel>, #tpu.dimension_semantics<subcore_parallel>], iteration_bounds = array<i64: 2, 16>, scalar_prefetch = 0 : i64, scratch_operands = 5 : i64, tpu.core_type = #tpu.core_type<sc_vector_subcore>, window_params = [{transform_indices = #map}, {transform_indices = #map1}, {transform_indices = #map}, {transform_indices = #map1}]} {
    %mul3A = arith.constant 632 : i32
    %mul3A_0 = arith.muli %arg1, %mul3A : i32
    "tpu.region"() ({
      %run_scoped3A_54 = tpu.sem_alloc : memref<!tpu.dma_semaphore, #tpu.memory_space<semaphore_mem>>
      %dma_start3A = arith.constant 0 : i32
      %dma_start3A_55 = tpu.memref_slice %arg9[%mul3A_0, %dma_start3A] : memref<10112x128xf32, #tpu.memory_space<vmem_shared>> -> memref<632x128xf32, #tpu.memory_space<vmem_shared>>
      tpu.enqueue_dma source(%arg4 : memref<632x128xf32, #tpu.memory_space<hbm>>) target(%dma_start3A_55 : memref<632x128xf32, #tpu.memory_space<vmem_shared>>) target_semaphore(%run_scoped3A_54 : memref<!tpu.dma_semaphore, #tpu.memory_space<semaphore_mem>>)
      %dma_wait3A = arith.constant 0 : i32
      %dma_wait3A_56 = tpu.memref_slice %arg9[%mul3A_0, %dma_wait3A] : memref<10112x128xf32, #tpu.memory_space<vmem_shared>> -> memref<632x128xf32, #tpu.memory_space<vmem_shared>>
      tpu.wait_dma2 semaphore(%run_scoped3A_54 : memref<!tpu.dma_semaphore, #tpu.memory_space<semaphore_mem>>) src(%arg4 : memref<632x128xf32, #tpu.memory_space<hbm>>) dst(%dma_wait3A_56 : memref<632x128xf32, #tpu.memory_space<vmem_shared>>)
      tpu.yield
    }) : () -> ()
    %eq3A = arith.constant 0 : i32
    %eq3A_1 = arith.cmpi eq, %arg0, %eq3A : i32
    %jit3A = arith.constant 78 : i32
    %jit3A_2 = arith.constant 78 : i32
    %select_n3A = arith.select %eq3A_1, %jit3A, %jit3A_2 : i32
    %eq3A_3 = arith.constant 0 : i32
    %eq3A_4 = arith.cmpi eq, %arg0, %eq3A_3 : i32
    %jit3A_5 = arith.constant 2 : i32
    %jit3A_6 = arith.constant 2 : i32
    %select_n3A_7 = arith.select %eq3A_4, %jit3A_5, %jit3A_6 : i32
    %lt3A = arith.cmpi slt, %arg1, %select_n3A_7 : i32
    %convert_element_type3A = arith.extui %lt3A : i1 to i32
    %add3A = arith.addi %select_n3A, %convert_element_type3A : i32
    %eq3A_8 = arith.constant 0 : i32
    %eq3A_9 = arith.cmpi eq, %arg0, %eq3A_8 : i32
    %jit3A_10 = arith.constant 0 : i32
    %jit3A_11 = arith.constant 1250 : i32
    %select_n3A_12 = arith.select %eq3A_9, %jit3A_10, %jit3A_11 : i32
    %mul3A_13 = arith.muli %arg1, %select_n3A : i32
    %add3A_14 = arith.addi %select_n3A_12, %mul3A_13 : i32
    %min3A = arith.minsi %arg1, %select_n3A_7 : i32
    %add3A_15 = arith.addi %add3A_14, %min3A : i32
    %jit3A_16 = arith.constant 8 : i32
    %div3A = arith.divsi %add3A_15, %jit3A_16 : i32
    %sign3A = arith.constant 0 : i32
    %sign3A_17 = arith.cmpi sgt, %add3A_15, %sign3A : i32
    %sign3A_18 = arith.extui %sign3A_17 : i1 to i32
    %sign3A_19 = arith.constant 0 : i32
    %sign3A_20 = arith.cmpi slt, %add3A_15, %sign3A_19 : i32
    %sign3A_21 = arith.extui %sign3A_20 : i1 to i32
    %sign3A_22 = arith.subi %sign3A_18, %sign3A_21 : i32
    %sign3A_23 = arith.constant 0 : i32
    %sign3A_24 = arith.cmpi sgt, %jit3A_16, %sign3A_23 : i32
    %sign3A_25 = arith.extui %sign3A_24 : i1 to i32
    %sign3A_26 = arith.constant 0 : i32
    %sign3A_27 = arith.cmpi slt, %jit3A_16, %sign3A_26 : i32
    %sign3A_28 = arith.extui %sign3A_27 : i1 to i32
    %sign3A_29 = arith.subi %sign3A_25, %sign3A_28 : i32
    %ne3A = arith.cmpi ne, %sign3A_22, %sign3A_29 : i32
    %rem3A = arith.remsi %add3A_15, %jit3A_16 : i32
    %ne3A_30 = arith.constant 0 : i32
    %ne3A_31 = arith.cmpi ne, %rem3A, %ne3A_30 : i32
    %and3A = arith.andi %ne3A, %ne3A_31 : i1
    %sub3A = arith.constant 1 : i32
    %sub3A_32 = arith.subi %div3A, %sub3A : i32
    %select_n3A_33 = arith.select %and3A, %sub3A_32, %div3A : i32
    %mul3A_34 = arith.constant 8 : i32
    %mul3A_35 = arith.muli %select_n3A_33, %mul3A_34 : i32
    %min3A_36 = arith.constant 2416 : i32
    %min3A_37 = arith.minsi %mul3A_35, %min3A_36 : i32
    %sub3A_38 = arith.subi %add3A_15, %min3A_37 : i32
    %run_scoped3A = arith.constant 0 : i32
    "tpu.region"() ({
      %run_scoped3A_54 = tpu.sem_alloc : memref<!tpu.dma_semaphore, #tpu.memory_space<semaphore_mem>>
      %dma_start3A = arith.constant 0 : i32
      %dma_start3A_55 = arith.constant 0 : i32
      %dma_start3A_56 = tpu.memref_slice %arg3[%run_scoped3A, %dma_start3A, %dma_start3A_55] : memref<2x2504x128xi32, #tpu.memory_space<hbm>> -> memref<1x2504x128xi32, #tpu.memory_space<hbm>>
      %dma_start3A_57 = tpu.memref_squeeze %dma_start3A_56 : memref<1x2504x128xi32, #tpu.memory_space<hbm>> -> memref<2504x128xi32, #tpu.memory_space<hbm>>
      %dma_start3A_58 = arith.constant 0 : i32
      %dma_start3A_59 = tpu.memref_slice %dma_start3A_57[%min3A_37, %dma_start3A_58] : memref<2504x128xi32, #tpu.memory_space<hbm>> -> memref<88x128xi32, #tpu.memory_space<hbm>>
      %dma_start3A_60 = arith.constant 0 : i32
      %dma_start3A_61 = arith.constant 0 : i32
      %dma_start3A_62 = tpu.memref_slice %arg3[%run_scoped3A, %dma_start3A_60, %dma_start3A_61] : memref<2x2504x128xi32, #tpu.memory_space<hbm>> -> memref<1x2504x128xi32, #tpu.memory_space<hbm>>
      %dma_start3A_63 = tpu.memref_squeeze %dma_start3A_62 : memref<1x2504x128xi32, #tpu.memory_space<hbm>> -> memref<2504x128xi32, #tpu.memory_space<hbm>>
      %dma_start3A_64 = arith.constant 0 : i32
      %dma_start3A_65 = tpu.memref_slice %dma_start3A_63[%min3A_37, %dma_start3A_64] : memref<2504x128xi32, #tpu.memory_space<hbm>> -> memref<88x128xi32, #tpu.memory_space<hbm>>
      tpu.enqueue_dma source(%dma_start3A_65 : memref<88x128xi32, #tpu.memory_space<hbm>>) target(%arg6 : memref<88x128xi32, #tpu.memory_space<vmem>>) target_semaphore(%run_scoped3A_54 : memref<!tpu.dma_semaphore, #tpu.memory_space<semaphore_mem>>)
      %dma_wait3A = arith.constant 0 : i32
      %dma_wait3A_66 = arith.constant 0 : i32
      %dma_wait3A_67 = tpu.memref_slice %arg3[%run_scoped3A, %dma_wait3A, %dma_wait3A_66] : memref<2x2504x128xi32, #tpu.memory_space<hbm>> -> memref<1x2504x128xi32, #tpu.memory_space<hbm>>
      %dma_wait3A_68 = tpu.memref_squeeze %dma_wait3A_67 : memref<1x2504x128xi32, #tpu.memory_space<hbm>> -> memref<2504x128xi32, #tpu.memory_space<hbm>>
      %dma_wait3A_69 = arith.constant 0 : i32
      %dma_wait3A_70 = tpu.memref_slice %dma_wait3A_68[%min3A_37, %dma_wait3A_69] : memref<2504x128xi32, #tpu.memory_space<hbm>> -> memref<88x128xi32, #tpu.memory_space<hbm>>
      %dma_wait3A_71 = arith.constant 0 : i32
      %dma_wait3A_72 = arith.constant 0 : i32
      %dma_wait3A_73 = tpu.memref_slice %arg3[%run_scoped3A, %dma_wait3A_71, %dma_wait3A_72] : memref<2x2504x128xi32, #tpu.memory_space<hbm>> -> memref<1x2504x128xi32, #tpu.memory_space<hbm>>
      %dma_wait3A_74 = tpu.memref_squeeze %dma_wait3A_73 : memref<1x2504x128xi32, #tpu.memory_space<hbm>> -> memref<2504x128xi32, #tpu.memory_space<hbm>>
      %dma_wait3A_75 = arith.constant 0 : i32
      %dma_wait3A_76 = tpu.memref_slice %dma_wait3A_74[%min3A_37, %dma_wait3A_75] : memref<2504x128xi32, #tpu.memory_space<hbm>> -> memref<88x128xi32, #tpu.memory_space<hbm>>
      tpu.wait_dma2 semaphore(%run_scoped3A_54 : memref<!tpu.dma_semaphore, #tpu.memory_space<semaphore_mem>>) src(%dma_wait3A_76 : memref<88x128xi32, #tpu.memory_space<hbm>>) dst(%arg6 : memref<88x128xi32, #tpu.memory_space<vmem>>)
      tpu.yield
    }) : () -> ()
    %run_scoped3A_39 = arith.constant 1 : i32
    "tpu.region"() ({
      %run_scoped3A_54 = tpu.sem_alloc : memref<!tpu.dma_semaphore, #tpu.memory_space<semaphore_mem>>
      %dma_start3A = arith.constant 0 : i32
      %dma_start3A_55 = arith.constant 0 : i32
      %dma_start3A_56 = tpu.memref_slice %arg3[%run_scoped3A_39, %dma_start3A, %dma_start3A_55] : memref<2x2504x128xi32, #tpu.memory_space<hbm>> -> memref<1x2504x128xi32, #tpu.memory_space<hbm>>
      %dma_start3A_57 = tpu.memref_squeeze %dma_start3A_56 : memref<1x2504x128xi32, #tpu.memory_space<hbm>> -> memref<2504x128xi32, #tpu.memory_space<hbm>>
      %dma_start3A_58 = arith.constant 0 : i32
      %dma_start3A_59 = tpu.memref_slice %dma_start3A_57[%min3A_37, %dma_start3A_58] : memref<2504x128xi32, #tpu.memory_space<hbm>> -> memref<88x128xi32, #tpu.memory_space<hbm>>
      %dma_start3A_60 = arith.constant 0 : i32
      %dma_start3A_61 = arith.constant 0 : i32
      %dma_start3A_62 = tpu.memref_slice %arg3[%run_scoped3A_39, %dma_start3A_60, %dma_start3A_61] : memref<2x2504x128xi32, #tpu.memory_space<hbm>> -> memref<1x2504x128xi32, #tpu.memory_space<hbm>>
      %dma_start3A_63 = tpu.memref_squeeze %dma_start3A_62 : memref<1x2504x128xi32, #tpu.memory_space<hbm>> -> memref<2504x128xi32, #tpu.memory_space<hbm>>
      %dma_start3A_64 = arith.constant 0 : i32
      %dma_start3A_65 = tpu.memref_slice %dma_start3A_63[%min3A_37, %dma_start3A_64] : memref<2504x128xi32, #tpu.memory_space<hbm>> -> memref<88x128xi32, #tpu.memory_space<hbm>>
      tpu.enqueue_dma source(%dma_start3A_65 : memref<88x128xi32, #tpu.memory_space<hbm>>) target(%arg7 : memref<88x128xi32, #tpu.memory_space<vmem>>) target_semaphore(%run_scoped3A_54 : memref<!tpu.dma_semaphore, #tpu.memory_space<semaphore_mem>>)
      %dma_wait3A = arith.constant 0 : i32
      %dma_wait3A_66 = arith.constant 0 : i32
      %dma_wait3A_67 = tpu.memref_slice %arg3[%run_scoped3A_39, %dma_wait3A, %dma_wait3A_66] : memref<2x2504x128xi32, #tpu.memory_space<hbm>> -> memref<1x2504x128xi32, #tpu.memory_space<hbm>>
      %dma_wait3A_68 = tpu.memref_squeeze %dma_wait3A_67 : memref<1x2504x128xi32, #tpu.memory_space<hbm>> -> memref<2504x128xi32, #tpu.memory_space<hbm>>
      %dma_wait3A_69 = arith.constant 0 : i32
      %dma_wait3A_70 = tpu.memref_slice %dma_wait3A_68[%min3A_37, %dma_wait3A_69] : memref<2504x128xi32, #tpu.memory_space<hbm>> -> memref<88x128xi32, #tpu.memory_space<hbm>>
      %dma_wait3A_71 = arith.constant 0 : i32
      %dma_wait3A_72 = arith.constant 0 : i32
      %dma_wait3A_73 = tpu.memref_slice %arg3[%run_scoped3A_39, %dma_wait3A_71, %dma_wait3A_72] : memref<2x2504x128xi32, #tpu.memory_space<hbm>> -> memref<1x2504x128xi32, #tpu.memory_space<hbm>>
      %dma_wait3A_74 = tpu.memref_squeeze %dma_wait3A_73 : memref<1x2504x128xi32, #tpu.memory_space<hbm>> -> memref<2504x128xi32, #tpu.memory_space<hbm>>
      %dma_wait3A_75 = arith.constant 0 : i32
      %dma_wait3A_76 = tpu.memref_slice %dma_wait3A_74[%min3A_37, %dma_wait3A_75] : memref<2504x128xi32, #tpu.memory_space<hbm>> -> memref<88x128xi32, #tpu.memory_space<hbm>>
      tpu.wait_dma2 semaphore(%run_scoped3A_54 : memref<!tpu.dma_semaphore, #tpu.memory_space<semaphore_mem>>) src(%dma_wait3A_76 : memref<88x128xi32, #tpu.memory_space<hbm>>) dst(%arg7 : memref<88x128xi32, #tpu.memory_space<vmem>>)
      tpu.yield
    }) : () -> ()
    %barrier3A = arith.constant 0 : index
    tpu.barrier barrier_id(%barrier3A)
    %while3A = arith.constant 0 : i32
    %while3A_40 = arith.constant 0 : i32
    %while3A_41 = arith.subi %add3A, %while3A_40 : i32
    %while3A_42 = arith.addi %while3A_40, %while3A_41 : i32
    %while3A_43 = arith.constant 1 : i32
    %while3A_44 = arith.divsi %while3A_41, %while3A_43 : i32
    %while3A_45 = arith.muli %while3A_44, %while3A_43 : i32
    %while3A_46 = arith.addi %while3A_40, %while3A_45 : i32
    %while3A_47 = arith.constant 1 : i32
    scf.for %while3A_54 = %while3A_40 to %while3A_46 step %while3A_47  : i32 {
      %add3A_55 = arith.addi %while3A_54, %sub3A_38 : i32
      %dma_start3A = arith.constant 0 : i32
      %dma_start3A_56 = tpu.memref_slice %arg6[%add3A_55, %dma_start3A] : memref<88x128xi32, #tpu.memory_space<vmem>> -> memref<1x128xi32, #tpu.memory_space<vmem>>
      %dma_start3A_57 = tpu.memref_squeeze %dma_start3A_56 : memref<1x128xi32, #tpu.memory_space<vmem>> -> memref<128xi32, #tpu.memory_space<vmem>>
      %dma_start3A_58 = arith.constant 0 : i32
      %dma_start3A_59 = arith.constant 0 : i32
      %dma_start3A_60 = tpu.memref_slice %arg2[%dma_start3A_58, %dma_start3A_59] : memref<10000x128xf32, #tpu.memory_space<hbm>> -> memref<10000x128xf32, #tpu.memory_space<hbm>>
      tpu.enqueue_indirect_dma source(%dma_start3A_60 : memref<10000x128xf32, #tpu.memory_space<hbm>>) target(%arg8 : memref<128x128xf32, #tpu.memory_space<vmem>>) offsets(%dma_start3A_57 : memref<128xi32, #tpu.memory_space<vmem>>) semaphore(%arg10 : memref<!tpu.dma_semaphore, #tpu.memory_space<semaphore_mem>>)
      %dma_wait3A = arith.constant 0 : i32
      %dma_wait3A_61 = tpu.memref_slice %arg6[%add3A_55, %dma_wait3A] : memref<88x128xi32, #tpu.memory_space<vmem>> -> memref<1x128xi32, #tpu.memory_space<vmem>>
      %dma_wait3A_62 = tpu.memref_squeeze %dma_wait3A_61 : memref<1x128xi32, #tpu.memory_space<vmem>> -> memref<128xi32, #tpu.memory_space<vmem>>
      %dma_wait3A_63 = arith.constant 0 : i32
      %dma_wait3A_64 = arith.constant 0 : i32
      %dma_wait3A_65 = tpu.memref_slice %arg2[%dma_wait3A_63, %dma_wait3A_64] : memref<10000x128xf32, #tpu.memory_space<hbm>> -> memref<10000x128xf32, #tpu.memory_space<hbm>>
      tpu.wait_indirect_dma semaphore(%arg10 : memref<!tpu.dma_semaphore, #tpu.memory_space<semaphore_mem>>) src(%dma_wait3A_65 : memref<10000x128xf32, #tpu.memory_space<hbm>>) dst(%arg8 : memref<128x128xf32, #tpu.memory_space<vmem>>)
      %add3A_66 = arith.addi %while3A_54, %sub3A_38 : i32
      "tpu.region"() ({
        %run_scoped3A_67 = tpu.sem_alloc : memref<!tpu.dma_semaphore, #tpu.memory_space<semaphore_mem>>
        %dma_start3A_68 = arith.constant 0 : i32
        %dma_start3A_69 = tpu.memref_slice %arg7[%add3A_66, %dma_start3A_68] : memref<88x128xi32, #tpu.memory_space<vmem>> -> memref<1x128xi32, #tpu.memory_space<vmem>>
        %dma_start3A_70 = tpu.memref_squeeze %dma_start3A_69 : memref<1x128xi32, #tpu.memory_space<vmem>> -> memref<128xi32, #tpu.memory_space<vmem>>
        %dma_start3A_71 = arith.constant 0 : i32
        %dma_start3A_72 = arith.constant 0 : i32
        %dma_start3A_73 = tpu.memref_slice %arg9[%dma_start3A_71, %dma_start3A_72] : memref<10112x128xf32, #tpu.memory_space<vmem_shared>> -> memref<10112x128xf32, #tpu.memory_space<vmem_shared>>
        tpu.enqueue_indirect_dma source(%arg8 : memref<128x128xf32, #tpu.memory_space<vmem>>) target(%dma_start3A_73 : memref<10112x128xf32, #tpu.memory_space<vmem_shared>>) offsets(%dma_start3A_70 : memref<128xi32, #tpu.memory_space<vmem>>) semaphore(%run_scoped3A_67 : memref<!tpu.dma_semaphore, #tpu.memory_space<semaphore_mem>>) {add = true}
        %dma_wait3A_74 = arith.constant 0 : i32
        %dma_wait3A_75 = tpu.memref_slice %arg7[%add3A_66, %dma_wait3A_74] : memref<88x128xi32, #tpu.memory_space<vmem>> -> memref<1x128xi32, #tpu.memory_space<vmem>>
        %dma_wait3A_76 = tpu.memref_squeeze %dma_wait3A_75 : memref<1x128xi32, #tpu.memory_space<vmem>> -> memref<128xi32, #tpu.memory_space<vmem>>
        %dma_wait3A_77 = arith.constant 0 : i32
        %dma_wait3A_78 = arith.constant 0 : i32
        %dma_wait3A_79 = tpu.memref_slice %arg9[%dma_wait3A_77, %dma_wait3A_78] : memref<10112x128xf32, #tpu.memory_space<vmem_shared>> -> memref<10112x128xf32, #tpu.memory_space<vmem_shared>>
        tpu.wait_indirect_dma semaphore(%run_scoped3A_67 : memref<!tpu.dma_semaphore, #tpu.memory_space<semaphore_mem>>) src(%arg8 : memref<128x128xf32, #tpu.memory_space<vmem>>) dst(%dma_wait3A_79 : memref<10112x128xf32, #tpu.memory_space<vmem_shared>>)
        tpu.yield
      }) : () -> ()
    }
    %while3A_48 = arith.constant 1 : i32
    scf.for %while3A_54 = %while3A_46 to %while3A_42 step %while3A_48  : i32 {
      %add3A_55 = arith.addi %while3A_54, %sub3A_38 : i32
      %dma_start3A = arith.constant 0 : i32
      %dma_start3A_56 = tpu.memref_slice %arg6[%add3A_55, %dma_start3A] : memref<88x128xi32, #tpu.memory_space<vmem>> -> memref<1x128xi32, #tpu.memory_space<vmem>>
      %dma_start3A_57 = tpu.memref_squeeze %dma_start3A_56 : memref<1x128xi32, #tpu.memory_space<vmem>> -> memref<128xi32, #tpu.memory_space<vmem>>
      %dma_start3A_58 = arith.constant 0 : i32
      %dma_start3A_59 = arith.constant 0 : i32
      %dma_start3A_60 = tpu.memref_slice %arg2[%dma_start3A_58, %dma_start3A_59] : memref<10000x128xf32, #tpu.memory_space<hbm>> -> memref<10000x128xf32, #tpu.memory_space<hbm>>
      tpu.enqueue_indirect_dma source(%dma_start3A_60 : memref<10000x128xf32, #tpu.memory_space<hbm>>) target(%arg8 : memref<128x128xf32, #tpu.memory_space<vmem>>) offsets(%dma_start3A_57 : memref<128xi32, #tpu.memory_space<vmem>>) semaphore(%arg10 : memref<!tpu.dma_semaphore, #tpu.memory_space<semaphore_mem>>)
      %dma_wait3A = arith.constant 0 : i32
      %dma_wait3A_61 = tpu.memref_slice %arg6[%add3A_55, %dma_wait3A] : memref<88x128xi32, #tpu.memory_space<vmem>> -> memref<1x128xi32, #tpu.memory_space<vmem>>
      %dma_wait3A_62 = tpu.memref_squeeze %dma_wait3A_61 : memref<1x128xi32, #tpu.memory_space<vmem>> -> memref<128xi32, #tpu.memory_space<vmem>>
      %dma_wait3A_63 = arith.constant 0 : i32
      %dma_wait3A_64 = arith.constant 0 : i32
      %dma_wait3A_65 = tpu.memref_slice %arg2[%dma_wait3A_63, %dma_wait3A_64] : memref<10000x128xf32, #tpu.memory_space<hbm>> -> memref<10000x128xf32, #tpu.memory_space<hbm>>
      tpu.wait_indirect_dma semaphore(%arg10 : memref<!tpu.dma_semaphore, #tpu.memory_space<semaphore_mem>>) src(%dma_wait3A_65 : memref<10000x128xf32, #tpu.memory_space<hbm>>) dst(%arg8 : memref<128x128xf32, #tpu.memory_space<vmem>>)
      %add3A_66 = arith.addi %while3A_54, %sub3A_38 : i32
      "tpu.region"() ({
        %run_scoped3A_67 = tpu.sem_alloc : memref<!tpu.dma_semaphore, #tpu.memory_space<semaphore_mem>>
        %dma_start3A_68 = arith.constant 0 : i32
        %dma_start3A_69 = tpu.memref_slice %arg7[%add3A_66, %dma_start3A_68] : memref<88x128xi32, #tpu.memory_space<vmem>> -> memref<1x128xi32, #tpu.memory_space<vmem>>
        %dma_start3A_70 = tpu.memref_squeeze %dma_start3A_69 : memref<1x128xi32, #tpu.memory_space<vmem>> -> memref<128xi32, #tpu.memory_space<vmem>>
        %dma_start3A_71 = arith.constant 0 : i32
        %dma_start3A_72 = arith.constant 0 : i32
        %dma_start3A_73 = tpu.memref_slice %arg9[%dma_start3A_71, %dma_start3A_72] : memref<10112x128xf32, #tpu.memory_space<vmem_shared>> -> memref<10112x128xf32, #tpu.memory_space<vmem_shared>>
        tpu.enqueue_indirect_dma source(%arg8 : memref<128x128xf32, #tpu.memory_space<vmem>>) target(%dma_start3A_73 : memref<10112x128xf32, #tpu.memory_space<vmem_shared>>) offsets(%dma_start3A_70 : memref<128xi32, #tpu.memory_space<vmem>>) semaphore(%run_scoped3A_67 : memref<!tpu.dma_semaphore, #tpu.memory_space<semaphore_mem>>) {add = true}
        %dma_wait3A_74 = arith.constant 0 : i32
        %dma_wait3A_75 = tpu.memref_slice %arg7[%add3A_66, %dma_wait3A_74] : memref<88x128xi32, #tpu.memory_space<vmem>> -> memref<1x128xi32, #tpu.memory_space<vmem>>
        %dma_wait3A_76 = tpu.memref_squeeze %dma_wait3A_75 : memref<1x128xi32, #tpu.memory_space<vmem>> -> memref<128xi32, #tpu.memory_space<vmem>>
        %dma_wait3A_77 = arith.constant 0 : i32
        %dma_wait3A_78 = arith.constant 0 : i32
        %dma_wait3A_79 = tpu.memref_slice %arg9[%dma_wait3A_77, %dma_wait3A_78] : memref<10112x128xf32, #tpu.memory_space<vmem_shared>> -> memref<10112x128xf32, #tpu.memory_space<vmem_shared>>
        tpu.wait_indirect_dma semaphore(%run_scoped3A_67 : memref<!tpu.dma_semaphore, #tpu.memory_space<semaphore_mem>>) src(%arg8 : memref<128x128xf32, #tpu.memory_space<vmem>>) dst(%dma_wait3A_79 : memref<10112x128xf32, #tpu.memory_space<vmem_shared>>)
        tpu.yield
      }) : () -> ()
    }
    %barrier3A_49 = arith.constant 0 : index
    tpu.barrier barrier_id(%barrier3A_49)
    %mul3A_50 = arith.constant 632 : i32
    %mul3A_51 = arith.muli %arg1, %mul3A_50 : i32
    %mul3A_52 = arith.constant 632 : i32
    %mul3A_53 = arith.muli %arg1, %mul3A_52 : i32
    "tpu.region"() ({
      %run_scoped3A_54 = tpu.sem_alloc : memref<!tpu.dma_semaphore, #tpu.memory_space<semaphore_mem>>
      %dma_start3A = arith.constant 0 : i32
      %dma_start3A_55 = arith.constant 0 : i32
      %dma_start3A_56 = tpu.memref_slice %arg5[%arg0, %dma_start3A, %dma_start3A_55] : memref<2x10112x128xf32, #tpu.memory_space<hbm>> -> memref<1x10112x128xf32, #tpu.memory_space<hbm>>
      %dma_start3A_57 = tpu.memref_squeeze %dma_start3A_56 : memref<1x10112x128xf32, #tpu.memory_space<hbm>> -> memref<10112x128xf32, #tpu.memory_space<hbm>>
      %dma_start3A_58 = arith.constant 0 : i32
      %dma_start3A_59 = tpu.memref_slice %dma_start3A_57[%mul3A_53, %dma_start3A_58] : memref<10112x128xf32, #tpu.memory_space<hbm>> -> memref<632x128xf32, #tpu.memory_space<hbm>>
      %dma_start3A_60 = arith.constant 0 : i32
      %dma_start3A_61 = tpu.memref_slice %arg9[%mul3A_51, %dma_start3A_60] : memref<10112x128xf32, #tpu.memory_space<vmem_shared>> -> memref<632x128xf32, #tpu.memory_space<vmem_shared>>
      tpu.enqueue_dma source(%dma_start3A_61 : memref<632x128xf32, #tpu.memory_space<vmem_shared>>) target(%dma_start3A_59 : memref<632x128xf32, #tpu.memory_space<hbm>>) target_semaphore(%run_scoped3A_54 : memref<!tpu.dma_semaphore, #tpu.memory_space<semaphore_mem>>)
      %dma_wait3A = arith.constant 0 : i32
      %dma_wait3A_62 = arith.constant 0 : i32
      %dma_wait3A_63 = tpu.memref_slice %arg5[%arg0, %dma_wait3A, %dma_wait3A_62] : memref<2x10112x128xf32, #tpu.memory_space<hbm>> -> memref<1x10112x128xf32, #tpu.memory_space<hbm>>
      %dma_wait3A_64 = tpu.memref_squeeze %dma_wait3A_63 : memref<1x10112x128xf32, #tpu.memory_space<hbm>> -> memref<10112x128xf32, #tpu.memory_space<hbm>>
      %dma_wait3A_65 = arith.constant 0 : i32
      %dma_wait3A_66 = tpu.memref_slice %dma_wait3A_64[%mul3A_53, %dma_wait3A_65] : memref<10112x128xf32, #tpu.memory_space<hbm>> -> memref<632x128xf32, #tpu.memory_space<hbm>>
      %dma_wait3A_67 = arith.constant 0 : i32
      %dma_wait3A_68 = tpu.memref_slice %arg9[%mul3A_51, %dma_wait3A_67] : memref<10112x128xf32, #tpu.memory_space<vmem_shared>> -> memref<632x128xf32, #tpu.memory_space<vmem_shared>>
      tpu.wait_dma2 semaphore(%run_scoped3A_54 : memref<!tpu.dma_semaphore, #tpu.memory_space<semaphore_mem>>) src(%dma_wait3A_68 : memref<632x128xf32, #tpu.memory_space<vmem_shared>>) dst(%dma_wait3A_66 : memref<632x128xf32, #tpu.memory_space<hbm>>)
      tpu.yield
    }) : () -> ()
    return
  }
}

#map = affine_map<(d0, d1) -> (0, 0)>
#map1 = affine_map<(d0, d1) -> (0, 0, 0)>
module attributes {stable_mosaic.version = 14 : i64} {
  func.func @agg(%arg0: i32, %arg1: i32, %arg2: memref<10000x128xf32, #tpu.memory_space<hbm>>, %arg3: memref<2x2504x128xi32, #tpu.memory_space<hbm>>, %arg4: memref<632x128xf32, #tpu.memory_space<hbm>>, %arg5: memref<2x10112x128xf32, #tpu.memory_space<hbm>>, %arg6: memref<88x128xi32, #tpu.memory_space<vmem>>, %arg7: memref<88x128xi32, #tpu.memory_space<vmem>>, %arg8: memref<128x128xf32, #tpu.memory_space<vmem>>, %arg9: memref<10112x128xf32, #tpu.memory_space<vmem_shared>>, %arg10: memref<!tpu.dma_semaphore, #tpu.memory_space<semaphore_mem>>) attributes {dimension_semantics = [#tpu.dimension_semantics<core_parallel>, #tpu.dimension_semantics<subcore_parallel>], iteration_bounds = array<i64: 2, 16>, scalar_prefetch = 0 : i64, scratch_operands = 5 : i64, tpu.core_type = #tpu.core_type<sc_vector_subcore>, window_params = [{transform_indices = #map}, {transform_indices = #map1}, {transform_indices = #map}, {transform_indices = #map1}]} {
    %mul3A = arith.constant 632 : i32
    %mul3A_0 = arith.muli %arg1, %mul3A : i32
    "tpu.region"() ({
      %run_scoped3A_54 = tpu.sem_alloc : memref<!tpu.dma_semaphore, #tpu.memory_space<semaphore_mem>>
      %dma_start3A = arith.constant 0 : i32
      %dma_start3A_55 = tpu.memref_slice %arg9[%mul3A_0, %dma_start3A] : memref<10112x128xf32, #tpu.memory_space<vmem_shared>> -> memref<632x128xf32, #tpu.memory_space<vmem_shared>>
      tpu.enqueue_dma source(%arg4 : memref<632x128xf32, #tpu.memory_space<hbm>>) target(%dma_start3A_55 : memref<632x128xf32, #tpu.memory_space<vmem_shared>>) target_semaphore(%run_scoped3A_54 : memref<!tpu.dma_semaphore, #tpu.memory_space<semaphore_mem>>)
      %dma_wait3A = arith.constant 0 : i32
      %dma_wait3A_56 = tpu.memref_slice %arg9[%mul3A_0, %dma_wait3A] : memref<10112x128xf32, #tpu.memory_space<vmem_shared>> -> memref<632x128xf32, #tpu.memory_space<vmem_shared>>
      tpu.wait_dma2 semaphore(%run_scoped3A_54 : memref<!tpu.dma_semaphore, #tpu.memory_space<semaphore_mem>>) src(%arg4 : memref<632x128xf32, #tpu.memory_space<hbm>>) dst(%dma_wait3A_56 : memref<632x128xf32, #tpu.memory_space<vmem_shared>>)
      tpu.yield
    }) : () -> ()
    %eq3A = arith.constant 0 : i32
    %eq3A_1 = arith.cmpi eq, %arg0, %eq3A : i32
    %jit3A = arith.constant 78 : i32
    %jit3A_2 = arith.constant 78 : i32
    %select_n3A = arith.select %eq3A_1, %jit3A, %jit3A_2 : i32
    %eq3A_3 = arith.constant 0 : i32
    %eq3A_4 = arith.cmpi eq, %arg0, %eq3A_3 : i32
    %jit3A_5 = arith.constant 2 : i32
    %jit3A_6 = arith.constant 2 : i32
    %select_n3A_7 = arith.select %eq3A_4, %jit3A_5, %jit3A_6 : i32
    %lt3A = arith.cmpi slt, %arg1, %select_n3A_7 : i32
    %convert_element_type3A = arith.extui %lt3A : i1 to i32
    %add3A = arith.addi %select_n3A, %convert_element_type3A : i32
    %eq3A_8 = arith.constant 0 : i32
    %eq3A_9 = arith.cmpi eq, %arg0, %eq3A_8 : i32
    %jit3A_10 = arith.constant 0 : i32
    %jit3A_11 = arith.constant 1250 : i32
    %select_n3A_12 = arith.select %eq3A_9, %jit3A_10, %jit3A_11 : i32
    %mul3A_13 = arith.muli %arg1, %select_n3A : i32
    %add3A_14 = arith.addi %select_n3A_12, %mul3A_13 : i32
    %min3A = arith.minsi %arg1, %select_n3A_7 : i32
    %add3A_15 = arith.addi %add3A_14, %min3A : i32
    %jit3A_16 = arith.constant 8 : i32
    %div3A = arith.divsi %add3A_15, %jit3A_16 : i32
    %sign3A = arith.constant 0 : i32
    %sign3A_17 = arith.cmpi sgt, %add3A_15, %sign3A : i32
    %sign3A_18 = arith.extui %sign3A_17 : i1 to i32
    %sign3A_19 = arith.constant 0 : i32
    %sign3A_20 = arith.cmpi slt, %add3A_15, %sign3A_19 : i32
    %sign3A_21 = arith.extui %sign3A_20 : i1 to i32
    %sign3A_22 = arith.subi %sign3A_18, %sign3A_21 : i32
    %sign3A_23 = arith.constant 0 : i32
    %sign3A_24 = arith.cmpi sgt, %jit3A_16, %sign3A_23 : i32
    %sign3A_25 = arith.extui %sign3A_24 : i1 to i32
    %sign3A_26 = arith.constant 0 : i32
    %sign3A_27 = arith.cmpi slt, %jit3A_16, %sign3A_26 : i32
    %sign3A_28 = arith.extui %sign3A_27 : i1 to i32
    %sign3A_29 = arith.subi %sign3A_25, %sign3A_28 : i32
    %ne3A = arith.cmpi ne, %sign3A_22, %sign3A_29 : i32
    %rem3A = arith.remsi %add3A_15, %jit3A_16 : i32
    %ne3A_30 = arith.constant 0 : i32
    %ne3A_31 = arith.cmpi ne, %rem3A, %ne3A_30 : i32
    %and3A = arith.andi %ne3A, %ne3A_31 : i1
    %sub3A = arith.constant 1 : i32
    %sub3A_32 = arith.subi %div3A, %sub3A : i32
    %select_n3A_33 = arith.select %and3A, %sub3A_32, %div3A : i32
    %mul3A_34 = arith.constant 8 : i32
    %mul3A_35 = arith.muli %select_n3A_33, %mul3A_34 : i32
    %min3A_36 = arith.constant 2416 : i32
    %min3A_37 = arith.minsi %mul3A_35, %min3A_36 : i32
    %sub3A_38 = arith.subi %add3A_15, %min3A_37 : i32
    %run_scoped3A = arith.constant 0 : i32
    "tpu.region"() ({
      %run_scoped3A_54 = tpu.sem_alloc : memref<!tpu.dma_semaphore, #tpu.memory_space<semaphore_mem>>
      %dma_start3A = arith.constant 0 : i32
      %dma_start3A_55 = arith.constant 0 : i32
      %dma_start3A_56 = tpu.memref_slice %arg3[%run_scoped3A, %dma_start3A, %dma_start3A_55] : memref<2x2504x128xi32, #tpu.memory_space<hbm>> -> memref<1x2504x128xi32, #tpu.memory_space<hbm>>
      %dma_start3A_57 = tpu.memref_squeeze %dma_start3A_56 : memref<1x2504x128xi32, #tpu.memory_space<hbm>> -> memref<2504x128xi32, #tpu.memory_space<hbm>>
      %dma_start3A_58 = arith.constant 0 : i32
      %dma_start3A_59 = tpu.memref_slice %dma_start3A_57[%min3A_37, %dma_start3A_58] : memref<2504x128xi32, #tpu.memory_space<hbm>> -> memref<88x128xi32, #tpu.memory_space<hbm>>
      %dma_start3A_60 = arith.constant 0 : i32
      %dma_start3A_61 = arith.constant 0 : i32
      %dma_start3A_62 = tpu.memref_slice %arg3[%run_scoped3A, %dma_start3A_60, %dma_start3A_61] : memref<2x2504x128xi32, #tpu.memory_space<hbm>> -> memref<1x2504x128xi32, #tpu.memory_space<hbm>>
      %dma_start3A_63 = tpu.memref_squeeze %dma_start3A_62 : memref<1x2504x128xi32, #tpu.memory_space<hbm>> -> memref<2504x128xi32, #tpu.memory_space<hbm>>
      %dma_start3A_64 = arith.constant 0 : i32
      %dma_start3A_65 = tpu.memref_slice %dma_start3A_63[%min3A_37, %dma_start3A_64] : memref<2504x128xi32, #tpu.memory_space<hbm>> -> memref<88x128xi32, #tpu.memory_space<hbm>>
      tpu.enqueue_dma source(%dma_start3A_65 : memref<88x128xi32, #tpu.memory_space<hbm>>) target(%arg6 : memref<88x128xi32, #tpu.memory_space<vmem>>) target_semaphore(%run_scoped3A_54 : memref<!tpu.dma_semaphore, #tpu.memory_space<semaphore_mem>>)
      %dma_wait3A = arith.constant 0 : i32
      %dma_wait3A_66 = arith.constant 0 : i32
      %dma_wait3A_67 = tpu.memref_slice %arg3[%run_scoped3A, %dma_wait3A, %dma_wait3A_66] : memref<2x2504x128xi32, #tpu.memory_space<hbm>> -> memref<1x2504x128xi32, #tpu.memory_space<hbm>>
      %dma_wait3A_68 = tpu.memref_squeeze %dma_wait3A_67 : memref<1x2504x128xi32, #tpu.memory_space<hbm>> -> memref<2504x128xi32, #tpu.memory_space<hbm>>
      %dma_wait3A_69 = arith.constant 0 : i32
      %dma_wait3A_70 = tpu.memref_slice %dma_wait3A_68[%min3A_37, %dma_wait3A_69] : memref<2504x128xi32, #tpu.memory_space<hbm>> -> memref<88x128xi32, #tpu.memory_space<hbm>>
      %dma_wait3A_71 = arith.constant 0 : i32
      %dma_wait3A_72 = arith.constant 0 : i32
      %dma_wait3A_73 = tpu.memref_slice %arg3[%run_scoped3A, %dma_wait3A_71, %dma_wait3A_72] : memref<2x2504x128xi32, #tpu.memory_space<hbm>> -> memref<1x2504x128xi32, #tpu.memory_space<hbm>>
      %dma_wait3A_74 = tpu.memref_squeeze %dma_wait3A_73 : memref<1x2504x128xi32, #tpu.memory_space<hbm>> -> memref<2504x128xi32, #tpu.memory_space<hbm>>
      %dma_wait3A_75 = arith.constant 0 : i32
      %dma_wait3A_76 = tpu.memref_slice %dma_wait3A_74[%min3A_37, %dma_wait3A_75] : memref<2504x128xi32, #tpu.memory_space<hbm>> -> memref<88x128xi32, #tpu.memory_space<hbm>>
      tpu.wait_dma2 semaphore(%run_scoped3A_54 : memref<!tpu.dma_semaphore, #tpu.memory_space<semaphore_mem>>) src(%dma_wait3A_76 : memref<88x128xi32, #tpu.memory_space<hbm>>) dst(%arg6 : memref<88x128xi32, #tpu.memory_space<vmem>>)
      tpu.yield
    }) : () -> ()
    %run_scoped3A_39 = arith.constant 1 : i32
    "tpu.region"() ({
      %run_scoped3A_54 = tpu.sem_alloc : memref<!tpu.dma_semaphore, #tpu.memory_space<semaphore_mem>>
      %dma_start3A = arith.constant 0 : i32
      %dma_start3A_55 = arith.constant 0 : i32
      %dma_start3A_56 = tpu.memref_slice %arg3[%run_scoped3A_39, %dma_start3A, %dma_start3A_55] : memref<2x2504x128xi32, #tpu.memory_space<hbm>> -> memref<1x2504x128xi32, #tpu.memory_space<hbm>>
      %dma_start3A_57 = tpu.memref_squeeze %dma_start3A_56 : memref<1x2504x128xi32, #tpu.memory_space<hbm>> -> memref<2504x128xi32, #tpu.memory_space<hbm>>
      %dma_start3A_58 = arith.constant 0 : i32
      %dma_start3A_59 = tpu.memref_slice %dma_start3A_57[%min3A_37, %dma_start3A_58] : memref<2504x128xi32, #tpu.memory_space<hbm>> -> memref<88x128xi32, #tpu.memory_space<hbm>>
      %dma_start3A_60 = arith.constant 0 : i32
      %dma_start3A_61 = arith.constant 0 : i32
      %dma_start3A_62 = tpu.memref_slice %arg3[%run_scoped3A_39, %dma_start3A_60, %dma_start3A_61] : memref<2x2504x128xi32, #tpu.memory_space<hbm>> -> memref<1x2504x128xi32, #tpu.memory_space<hbm>>
      %dma_start3A_63 = tpu.memref_squeeze %dma_start3A_62 : memref<1x2504x128xi32, #tpu.memory_space<hbm>> -> memref<2504x128xi32, #tpu.memory_space<hbm>>
      %dma_start3A_64 = arith.constant 0 : i32
      %dma_start3A_65 = tpu.memref_slice %dma_start3A_63[%min3A_37, %dma_start3A_64] : memref<2504x128xi32, #tpu.memory_space<hbm>> -> memref<88x128xi32, #tpu.memory_space<hbm>>
      tpu.enqueue_dma source(%dma_start3A_65 : memref<88x128xi32, #tpu.memory_space<hbm>>) target(%arg7 : memref<88x128xi32, #tpu.memory_space<vmem>>) target_semaphore(%run_scoped3A_54 : memref<!tpu.dma_semaphore, #tpu.memory_space<semaphore_mem>>)
      %dma_wait3A = arith.constant 0 : i32
      %dma_wait3A_66 = arith.constant 0 : i32
      %dma_wait3A_67 = tpu.memref_slice %arg3[%run_scoped3A_39, %dma_wait3A, %dma_wait3A_66] : memref<2x2504x128xi32, #tpu.memory_space<hbm>> -> memref<1x2504x128xi32, #tpu.memory_space<hbm>>
      %dma_wait3A_68 = tpu.memref_squeeze %dma_wait3A_67 : memref<1x2504x128xi32, #tpu.memory_space<hbm>> -> memref<2504x128xi32, #tpu.memory_space<hbm>>
      %dma_wait3A_69 = arith.constant 0 : i32
      %dma_wait3A_70 = tpu.memref_slice %dma_wait3A_68[%min3A_37, %dma_wait3A_69] : memref<2504x128xi32, #tpu.memory_space<hbm>> -> memref<88x128xi32, #tpu.memory_space<hbm>>
      %dma_wait3A_71 = arith.constant 0 : i32
      %dma_wait3A_72 = arith.constant 0 : i32
      %dma_wait3A_73 = tpu.memref_slice %arg3[%run_scoped3A_39, %dma_wait3A_71, %dma_wait3A_72] : memref<2x2504x128xi32, #tpu.memory_space<hbm>> -> memref<1x2504x128xi32, #tpu.memory_space<hbm>>
      %dma_wait3A_74 = tpu.memref_squeeze %dma_wait3A_73 : memref<1x2504x128xi32, #tpu.memory_space<hbm>> -> memref<2504x128xi32, #tpu.memory_space<hbm>>
      %dma_wait3A_75 = arith.constant 0 : i32
      %dma_wait3A_76 = tpu.memref_slice %dma_wait3A_74[%min3A_37, %dma_wait3A_75] : memref<2504x128xi32, #tpu.memory_space<hbm>> -> memref<88x128xi32, #tpu.memory_space<hbm>>
      tpu.wait_dma2 semaphore(%run_scoped3A_54 : memref<!tpu.dma_semaphore, #tpu.memory_space<semaphore_mem>>) src(%dma_wait3A_76 : memref<88x128xi32, #tpu.memory_space<hbm>>) dst(%arg7 : memref<88x128xi32, #tpu.memory_space<vmem>>)
      tpu.yield
    }) : () -> ()
    %barrier3A = arith.constant 0 : index
    tpu.barrier barrier_id(%barrier3A)
    %while3A = arith.constant 0 : i32
    %while3A_40 = arith.constant 0 : i32
    %while3A_41 = arith.subi %add3A, %while3A_40 : i32
    %while3A_42 = arith.addi %while3A_40, %while3A_41 : i32
    %while3A_43 = arith.constant 1 : i32
    %while3A_44 = arith.divsi %while3A_41, %while3A_43 : i32
    %while3A_45 = arith.muli %while3A_44, %while3A_43 : i32
    %while3A_46 = arith.addi %while3A_40, %while3A_45 : i32
    %while3A_47 = arith.constant 1 : i32
    scf.for %while3A_54 = %while3A_40 to %while3A_46 step %while3A_47  : i32 {
      %add3A_55 = arith.addi %while3A_54, %sub3A_38 : i32
      %dma_start3A = arith.constant 0 : i32
      %dma_start3A_56 = tpu.memref_slice %arg6[%add3A_55, %dma_start3A] : memref<88x128xi32, #tpu.memory_space<vmem>> -> memref<1x128xi32, #tpu.memory_space<vmem>>
      %dma_start3A_57 = tpu.memref_squeeze %dma_start3A_56 : memref<1x128xi32, #tpu.memory_space<vmem>> -> memref<128xi32, #tpu.memory_space<vmem>>
      %dma_start3A_58 = arith.constant 0 : i32
      %dma_start3A_59 = arith.constant 0 : i32
      %dma_start3A_60 = tpu.memref_slice %arg2[%dma_start3A_58, %dma_start3A_59] : memref<10000x128xf32, #tpu.memory_space<hbm>> -> memref<10000x128xf32, #tpu.memory_space<hbm>>
      tpu.enqueue_indirect_dma source(%dma_start3A_60 : memref<10000x128xf32, #tpu.memory_space<hbm>>) target(%arg8 : memref<128x128xf32, #tpu.memory_space<vmem>>) offsets(%dma_start3A_57 : memref<128xi32, #tpu.memory_space<vmem>>) semaphore(%arg10 : memref<!tpu.dma_semaphore, #tpu.memory_space<semaphore_mem>>)
      %dma_wait3A = arith.constant 0 : i32
      %dma_wait3A_61 = tpu.memref_slice %arg6[%add3A_55, %dma_wait3A] : memref<88x128xi32, #tpu.memory_space<vmem>> -> memref<1x128xi32, #tpu.memory_space<vmem>>
      %dma_wait3A_62 = tpu.memref_squeeze %dma_wait3A_61 : memref<1x128xi32, #tpu.memory_space<vmem>> -> memref<128xi32, #tpu.memory_space<vmem>>
      %dma_wait3A_63 = arith.constant 0 : i32
      %dma_wait3A_64 = arith.constant 0 : i32
      %dma_wait3A_65 = tpu.memref_slice %arg2[%dma_wait3A_63, %dma_wait3A_64] : memref<10000x128xf32, #tpu.memory_space<hbm>> -> memref<10000x128xf32, #tpu.memory_space<hbm>>
      tpu.wait_indirect_dma semaphore(%arg10 : memref<!tpu.dma_semaphore, #tpu.memory_space<semaphore_mem>>) src(%dma_wait3A_65 : memref<10000x128xf32, #tpu.memory_space<hbm>>) dst(%arg8 : memref<128x128xf32, #tpu.memory_space<vmem>>)
      %add3A_66 = arith.addi %while3A_54, %sub3A_38 : i32
      "tpu.region"() ({
        %run_scoped3A_67 = tpu.sem_alloc : memref<!tpu.dma_semaphore, #tpu.memory_space<semaphore_mem>>
        %dma_start3A_68 = arith.constant 0 : i32
        %dma_start3A_69 = tpu.memref_slice %arg7[%add3A_66, %dma_start3A_68] : memref<88x128xi32, #tpu.memory_space<vmem>> -> memref<1x128xi32, #tpu.memory_space<vmem>>
        %dma_start3A_70 = tpu.memref_squeeze %dma_start3A_69 : memref<1x128xi32, #tpu.memory_space<vmem>> -> memref<128xi32, #tpu.memory_space<vmem>>
        %dma_start3A_71 = arith.constant 0 : i32
        %dma_start3A_72 = arith.constant 0 : i32
        %dma_start3A_73 = tpu.memref_slice %arg9[%dma_start3A_71, %dma_start3A_72] : memref<10112x128xf32, #tpu.memory_space<vmem_shared>> -> memref<10112x128xf32, #tpu.memory_space<vmem_shared>>
        tpu.enqueue_indirect_dma source(%arg8 : memref<128x128xf32, #tpu.memory_space<vmem>>) target(%dma_start3A_73 : memref<10112x128xf32, #tpu.memory_space<vmem_shared>>) offsets(%dma_start3A_70 : memref<128xi32, #tpu.memory_space<vmem>>) semaphore(%run_scoped3A_67 : memref<!tpu.dma_semaphore, #tpu.memory_space<semaphore_mem>>) {add = true}
        %dma_wait3A_74 = arith.constant 0 : i32
        %dma_wait3A_75 = tpu.memref_slice %arg7[%add3A_66, %dma_wait3A_74] : memref<88x128xi32, #tpu.memory_space<vmem>> -> memref<1x128xi32, #tpu.memory_space<vmem>>
        %dma_wait3A_76 = tpu.memref_squeeze %dma_wait3A_75 : memref<1x128xi32, #tpu.memory_space<vmem>> -> memref<128xi32, #tpu.memory_space<vmem>>
        %dma_wait3A_77 = arith.constant 0 : i32
        %dma_wait3A_78 = arith.constant 0 : i32
        %dma_wait3A_79 = tpu.memref_slice %arg9[%dma_wait3A_77, %dma_wait3A_78] : memref<10112x128xf32, #tpu.memory_space<vmem_shared>> -> memref<10112x128xf32, #tpu.memory_space<vmem_shared>>
        tpu.wait_indirect_dma semaphore(%run_scoped3A_67 : memref<!tpu.dma_semaphore, #tpu.memory_space<semaphore_mem>>) src(%arg8 : memref<128x128xf32, #tpu.memory_space<vmem>>) dst(%dma_wait3A_79 : memref<10112x128xf32, #tpu.memory_space<vmem_shared>>)
        tpu.yield
      }) : () -> ()
    }
    %while3A_48 = arith.constant 1 : i32
    scf.for %while3A_54 = %while3A_46 to %while3A_42 step %while3A_48  : i32 {
      %add3A_55 = arith.addi %while3A_54, %sub3A_38 : i32
      %dma_start3A = arith.constant 0 : i32
      %dma_start3A_56 = tpu.memref_slice %arg6[%add3A_55, %dma_start3A] : memref<88x128xi32, #tpu.memory_space<vmem>> -> memref<1x128xi32, #tpu.memory_space<vmem>>
      %dma_start3A_57 = tpu.memref_squeeze %dma_start3A_56 : memref<1x128xi32, #tpu.memory_space<vmem>> -> memref<128xi32, #tpu.memory_space<vmem>>
      %dma_start3A_58 = arith.constant 0 : i32
      %dma_start3A_59 = arith.constant 0 : i32
      %dma_start3A_60 = tpu.memref_slice %arg2[%dma_start3A_58, %dma_start3A_59] : memref<10000x128xf32, #tpu.memory_space<hbm>> -> memref<10000x128xf32, #tpu.memory_space<hbm>>
      tpu.enqueue_indirect_dma source(%dma_start3A_60 : memref<10000x128xf32, #tpu.memory_space<hbm>>) target(%arg8 : memref<128x128xf32, #tpu.memory_space<vmem>>) offsets(%dma_start3A_57 : memref<128xi32, #tpu.memory_space<vmem>>) semaphore(%arg10 : memref<!tpu.dma_semaphore, #tpu.memory_space<semaphore_mem>>)
      %dma_wait3A = arith.constant 0 : i32
      %dma_wait3A_61 = tpu.memref_slice %arg6[%add3A_55, %dma_wait3A] : memref<88x128xi32, #tpu.memory_space<vmem>> -> memref<1x128xi32, #tpu.memory_space<vmem>>
      %dma_wait3A_62 = tpu.memref_squeeze %dma_wait3A_61 : memref<1x128xi32, #tpu.memory_space<vmem>> -> memref<128xi32, #tpu.memory_space<vmem>>
      %dma_wait3A_63 = arith.constant 0 : i32
      %dma_wait3A_64 = arith.constant 0 : i32
      %dma_wait3A_65 = tpu.memref_slice %arg2[%dma_wait3A_63, %dma_wait3A_64] : memref<10000x128xf32, #tpu.memory_space<hbm>> -> memref<10000x128xf32, #tpu.memory_space<hbm>>
      tpu.wait_indirect_dma semaphore(%arg10 : memref<!tpu.dma_semaphore, #tpu.memory_space<semaphore_mem>>) src(%dma_wait3A_65 : memref<10000x128xf32, #tpu.memory_space<hbm>>) dst(%arg8 : memref<128x128xf32, #tpu.memory_space<vmem>>)
      %add3A_66 = arith.addi %while3A_54, %sub3A_38 : i32
      "tpu.region"() ({
        %run_scoped3A_67 = tpu.sem_alloc : memref<!tpu.dma_semaphore, #tpu.memory_space<semaphore_mem>>
        %dma_start3A_68 = arith.constant 0 : i32
        %dma_start3A_69 = tpu.memref_slice %arg7[%add3A_66, %dma_start3A_68] : memref<88x128xi32, #tpu.memory_space<vmem>> -> memref<1x128xi32, #tpu.memory_space<vmem>>
        %dma_start3A_70 = tpu.memref_squeeze %dma_start3A_69 : memref<1x128xi32, #tpu.memory_space<vmem>> -> memref<128xi32, #tpu.memory_space<vmem>>
        %dma_start3A_71 = arith.constant 0 : i32
        %dma_start3A_72 = arith.constant 0 : i32
        %dma_start3A_73 = tpu.memref_slice %arg9[%dma_start3A_71, %dma_start3A_72] : memref<10112x128xf32, #tpu.memory_space<vmem_shared>> -> memref<10112x128xf32, #tpu.memory_space<vmem_shared>>
        tpu.enqueue_indirect_dma source(%arg8 : memref<128x128xf32, #tpu.memory_space<vmem>>) target(%dma_start3A_73 : memref<10112x128xf32, #tpu.memory_space<vmem_shared>>) offsets(%dma_start3A_70 : memref<128xi32, #tpu.memory_space<vmem>>) semaphore(%run_scoped3A_67 : memref<!tpu.dma_semaphore, #tpu.memory_space<semaphore_mem>>) {add = true}
        %dma_wait3A_74 = arith.constant 0 : i32
        %dma_wait3A_75 = tpu.memref_slice %arg7[%add3A_66, %dma_wait3A_74] : memref<88x128xi32, #tpu.memory_space<vmem>> -> memref<1x128xi32, #tpu.memory_space<vmem>>
        %dma_wait3A_76 = tpu.memref_squeeze %dma_wait3A_75 : memref<1x128xi32, #tpu.memory_space<vmem>> -> memref<128xi32, #tpu.memory_space<vmem>>
        %dma_wait3A_77 = arith.constant 0 : i32
        %dma_wait3A_78 = arith.constant 0 : i32
        %dma_wait3A_79 = tpu.memref_slice %arg9[%dma_wait3A_77, %dma_wait3A_78] : memref<10112x128xf32, #tpu.memory_space<vmem_shared>> -> memref<10112x128xf32, #tpu.memory_space<vmem_shared>>
        tpu.wait_indirect_dma semaphore(%run_scoped3A_67 : memref<!tpu.dma_semaphore, #tpu.memory_space<semaphore_mem>>) src(%arg8 : memref<128x128xf32, #tpu.memory_space<vmem>>) dst(%dma_wait3A_79 : memref<10112x128xf32, #tpu.memory_space<vmem_shared>>)
        tpu.yield
      }) : () -> ()
    }
    %barrier3A_49 = arith.constant 0 : index
    tpu.barrier barrier_id(%barrier3A_49)
    %mul3A_50 = arith.constant 632 : i32
    %mul3A_51 = arith.muli %arg1, %mul3A_50 : i32
    %mul3A_52 = arith.constant 632 : i32
    %mul3A_53 = arith.muli %arg1, %mul3A_52 : i32
    "tpu.region"() ({
      %run_scoped3A_54 = tpu.sem_alloc : memref<!tpu.dma_semaphore, #tpu.memory_space<semaphore_mem>>
      %dma_start3A = arith.constant 0 : i32
      %dma_start3A_55 = arith.constant 0 : i32
      %dma_start3A_56 = tpu.memref_slice %arg5[%arg0, %dma_start3A, %dma_start3A_55] : memref<2x10112x128xf32, #tpu.memory_space<hbm>> -> memref<1x10112x128xf32, #tpu.memory_space<hbm>>
      %dma_start3A_57 = tpu.memref_squeeze %dma_start3A_56 : memref<1x10112x128xf32, #tpu.memory_space<hbm>> -> memref<10112x128xf32, #tpu.memory_space<hbm>>
      %dma_start3A_58 = arith.constant 0 : i32
      %dma_start3A_59 = tpu.memref_slice %dma_start3A_57[%mul3A_53, %dma_start3A_58] : memref<10112x128xf32, #tpu.memory_space<hbm>> -> memref<632x128xf32, #tpu.memory_space<hbm>>
      %dma_start3A_60 = arith.constant 0 : i32
      %dma_start3A_61 = tpu.memref_slice %arg9[%mul3A_51, %dma_start3A_60] : memref<10112x128xf32, #tpu.memory_space<vmem_shared>> -> memref<632x128xf32, #tpu.memory_space<vmem_shared>>
      tpu.enqueue_dma source(%dma_start3A_61 : memref<632x128xf32, #tpu.memory_space<vmem_shared>>) target(%dma_start3A_59 : memref<632x128xf32, #tpu.memory_space<hbm>>) target_semaphore(%run_scoped3A_54 : memref<!tpu.dma_semaphore, #tpu.memory_space<semaphore_mem>>)
      %dma_wait3A = arith.constant 0 : i32
      %dma_wait3A_62 = arith.constant 0 : i32
      %dma_wait3A_63 = tpu.memref_slice %arg5[%arg0, %dma_wait3A, %dma_wait3A_62] : memref<2x10112x128xf32, #tpu.memory_space<hbm>> -> memref<1x10112x128xf32, #tpu.memory_space<hbm>>
      %dma_wait3A_64 = tpu.memref_squeeze %dma_wait3A_63 : memref<1x10112x128xf32, #tpu.memory_space<hbm>> -> memref<10112x128xf32, #tpu.memory_space<hbm>>
      %dma_wait3A_65 = arith.constant 0 : i32
      %dma_wait3A_66 = tpu.memref_slice %dma_wait3A_64[%mul3A_53, %dma_wait3A_65] : memref<10112x128xf32, #tpu.memory_space<hbm>> -> memref<632x128xf32, #tpu.memory_space<hbm>>
      %dma_wait3A_67 = arith.constant 0 : i32
      %dma_wait3A_68 = tpu.memref_slice %arg9[%mul3A_51, %dma_wait3A_67] : memref<10112x128xf32, #tpu.memory_space<vmem_shared>> -> memref<632x128xf32, #tpu.memory_space<vmem_shared>>
      tpu.wait_dma2 semaphore(%run_scoped3A_54 : memref<!tpu.dma_semaphore, #tpu.memory_space<semaphore_mem>>) src(%dma_wait3A_68 : memref<632x128xf32, #tpu.memory_space<vmem_shared>>) dst(%dma_wait3A_66 : memref<632x128xf32, #tpu.memory_space<hbm>>)
      tpu.yield
    }) : () -> ()
    return
  }
}

module attributes {stable_mosaic.version = 14 : i64} {
  func.func @_mlp_body(%arg0: i32, %arg1: memref<2000x128xf32, #tpu.memory_space<vmem>>, %arg2: memref<2x2000x128xf32, #tpu.memory_space<vmem>>, %arg3: memref<128x128xf32, #tpu.memory_space<vmem>>, %arg4: memref<1x128xf32, #tpu.memory_space<vmem>>, %arg5: memref<128x128xf32, #tpu.memory_space<vmem>>, %arg6: memref<1x128xf32, #tpu.memory_space<vmem>>, %arg7: memref<2000x128xf32, #tpu.memory_space<vmem>>, %arg8: memref<1x128xf32, #tpu.memory_space<vmem>>, %arg9: memref<1x128xf32, #tpu.memory_space<vmem>>) attributes {dimension_semantics = [#tpu.dimension_semantics<arbitrary>], iteration_bounds = array<i64: 5>, scalar_prefetch = 0 : i64, scratch_operands = 0 : i64, tpu.core_type = #tpu.core_type<tc>, window_params = [{transform_indices = @transform_0, window_bounds = array<i64: 2000, 128>}, {transform_indices = @transform_1, window_bounds = array<i64: 2, 2000, 128>}, {pipeline_mode = #tpu.pipeline_mode<synchronous>, transform_indices = @transform_2, window_bounds = array<i64: 128, 128>}, {pipeline_mode = #tpu.pipeline_mode<synchronous>, transform_indices = @transform_3, window_bounds = array<i64: 1, 128>}, {pipeline_mode = #tpu.pipeline_mode<synchronous>, transform_indices = @transform_4, window_bounds = array<i64: 128, 128>}, {pipeline_mode = #tpu.pipeline_mode<synchronous>, transform_indices = @transform_5, window_bounds = array<i64: 1, 128>}, {transform_indices = @transform_6, window_bounds = array<i64: 2000, 128>}, {pipeline_mode = #tpu.pipeline_mode<synchronous>, transform_indices = @transform_7, window_bounds = array<i64: 1, 128>}, {pipeline_mode = #tpu.pipeline_mode<synchronous>, transform_indices = @transform_8, window_bounds = array<i64: 1, 128>}]} {
    %get3A = arith.constant 0 : index
    %get3A_0 = arith.constant 0 : index
    %get3A_1 = vector.load %arg1[%get3A, %get3A_0] : memref<2000x128xf32, #tpu.memory_space<vmem>>, vector<2000x128xf32>
    %get3A_2 = arith.constant 0 : index
    %get3A_3 = arith.constant 0 : index
    %get3A_4 = arith.constant 0 : index
    %get3A_5 = vector.load %arg2[%get3A_2, %get3A_3, %get3A_4] : memref<2x2000x128xf32, #tpu.memory_space<vmem>>, vector<1x2000x128xf32>
    %get3A_6 = vector.shape_cast %get3A_5 : vector<1x2000x128xf32> to vector<2000x128xf32>
    %add3A = arith.addf %get3A_1, %get3A_6 : vector<2000x128xf32>
    %get3A_7 = arith.constant 1 : index
    %get3A_8 = arith.constant 0 : index
    %get3A_9 = arith.constant 0 : index
    %get3A_10 = vector.load %arg2[%get3A_7, %get3A_8, %get3A_9] : memref<2x2000x128xf32, #tpu.memory_space<vmem>>, vector<1x2000x128xf32>
    %get3A_11 = vector.shape_cast %get3A_10 : vector<1x2000x128xf32> to vector<2000x128xf32>
    %add3A_12 = arith.addf %add3A, %get3A_11 : vector<2000x128xf32>
    %get3A_13 = arith.constant 0 : index
    %get3A_14 = arith.constant 0 : index
    %get3A_15 = vector.load %arg3[%get3A_13, %get3A_14] : memref<128x128xf32, #tpu.memory_space<vmem>>, vector<128x128xf32>
    %dot_general3A = arith.constant dense<0.000000e+00> : vector<2000x128xf32>
    %dot_general3A_16 = tpu.matmul %add3A_12, %get3A_15, %dot_general3A {dimension_numbers = #tpu.dot_dimension_numbers<[1], [0], [0], [1], [0, 0, 1, 1], [], []>, transpose_lhs_hint = false} : vector<2000x128xf32>, vector<128x128xf32>, vector<2000x128xf32> -> vector<2000x128xf32>
    %get3A_17 = arith.constant 0 : index
    %get3A_18 = arith.constant 0 : index
    %get3A_19 = vector.load %arg4[%get3A_17, %get3A_18] : memref<1x128xf32, #tpu.memory_space<vmem>>, vector<1x128xf32>
    %add3A_20 = vector.broadcast %get3A_19 : vector<1x128xf32> to vector<2000x128xf32>
    %add3A_21 = arith.addf %dot_general3A_16, %add3A_20 : vector<2000x128xf32>
    %max3A = arith.constant 0.000000e+00 : f32
    %max3A_22 = vector.broadcast %max3A : f32 to vector<2000x128xf32>
    %max3A_23 = arith.maximumf %add3A_21, %max3A_22 : vector<2000x128xf32>
    %get3A_24 = arith.constant 0 : index
    %get3A_25 = arith.constant 0 : index
    %get3A_26 = vector.load %arg5[%get3A_24, %get3A_25] : memref<128x128xf32, #tpu.memory_space<vmem>>, vector<128x128xf32>
    %dot_general3A_27 = arith.constant dense<0.000000e+00> : vector<2000x128xf32>
    %dot_general3A_28 = tpu.matmul %max3A_23, %get3A_26, %dot_general3A_27 {dimension_numbers = #tpu.dot_dimension_numbers<[1], [0], [0], [1], [0, 0, 1, 1], [], []>, transpose_lhs_hint = false} : vector<2000x128xf32>, vector<128x128xf32>, vector<2000x128xf32> -> vector<2000x128xf32>
    %get3A_29 = arith.constant 0 : index
    %get3A_30 = arith.constant 0 : index
    %get3A_31 = vector.load %arg6[%get3A_29, %get3A_30] : memref<1x128xf32, #tpu.memory_space<vmem>>, vector<1x128xf32>
    %add3A_32 = vector.broadcast %get3A_31 : vector<1x128xf32> to vector<2000x128xf32>
    %add3A_33 = arith.addf %dot_general3A_28, %add3A_32 : vector<2000x128xf32>
    %swap3A = arith.constant 0 : index
    %swap3A_34 = arith.constant 0 : index
    %swap3A_35 = vector.load %arg7[%swap3A, %swap3A_34] : memref<2000x128xf32, #tpu.memory_space<vmem>>, vector<2000x128xf32>
    tpu.vector_store %arg7[%swap3A, %swap3A_34], %add3A_33 {strides = array<i32>} : memref<2000x128xf32, #tpu.memory_space<vmem>>, vector<2000x128xf32>,
    %eq3A = arith.constant 0 : i32
    %eq3A_36 = arith.cmpi eq, %arg0, %eq3A : i32
    %convert_element_type3A = arith.extui %eq3A_36 : i1 to i32
    %cond3A = arith.constant 0 : i32
    %cond3A_37 = arith.cmpi ne, %convert_element_type3A, %cond3A : i32
    scf.if %cond3A_37 {
      %broadcast_in_dim3A_56 = arith.constant 0.000000e+00 : f32
      %broadcast_in_dim3A_57 = vector.broadcast %broadcast_in_dim3A_56 : f32 to vector<1x128xf32>
      %swap3A_58 = arith.constant 0 : index
      %swap3A_59 = arith.constant 0 : index
      %swap3A_60 = vector.load %arg8[%swap3A_58, %swap3A_59] : memref<1x128xf32, #tpu.memory_space<vmem>>, vector<1x128xf32>
      tpu.vector_store %arg8[%swap3A_58, %swap3A_59], %broadcast_in_dim3A_57 {strides = array<i32>} : memref<1x128xf32, #tpu.memory_space<vmem>>, vector<1x128xf32>,
      %broadcast_in_dim3A_61 = arith.constant 0.000000e+00 : f32
      %broadcast_in_dim3A_62 = vector.broadcast %broadcast_in_dim3A_61 : f32 to vector<1x128xf32>
      %swap3A_63 = arith.constant 0 : index
      %swap3A_64 = arith.constant 0 : index
      %swap3A_65 = vector.load %arg9[%swap3A_63, %swap3A_64] : memref<1x128xf32, #tpu.memory_space<vmem>>, vector<1x128xf32>
      tpu.vector_store %arg9[%swap3A_63, %swap3A_64], %broadcast_in_dim3A_62 {strides = array<i32>} : memref<1x128xf32, #tpu.memory_space<vmem>>, vector<1x128xf32>,
    } else {
    }
    %get3A_38 = arith.constant 0 : index
    %get3A_39 = arith.constant 0 : index
    %get3A_40 = vector.load %arg8[%get3A_38, %get3A_39] : memref<1x128xf32, #tpu.memory_space<vmem>>, vector<1x128xf32>
    %reduce_sum3A = arith.constant dense<0.000000e+00> : vector<128xf32>
    %reduce_sum3A_41 = vector.multi_reduction <add>, %add3A_33, %reduce_sum3A [0] : vector<2000x128xf32> to vector<128xf32>
    %broadcast_in_dim3A = vector.shape_cast %reduce_sum3A_41 : vector<128xf32> to vector<1x128xf32>
    %add3A_42 = arith.addf %get3A_40, %broadcast_in_dim3A : vector<1x128xf32>
    %swap3A_43 = arith.constant 0 : index
    %swap3A_44 = arith.constant 0 : index
    %swap3A_45 = vector.load %arg8[%swap3A_43, %swap3A_44] : memref<1x128xf32, #tpu.memory_space<vmem>>, vector<1x128xf32>
    tpu.vector_store %arg8[%swap3A_43, %swap3A_44], %add3A_42 {strides = array<i32>} : memref<1x128xf32, #tpu.memory_space<vmem>>, vector<1x128xf32>,
    %get3A_46 = arith.constant 0 : index
    %get3A_47 = arith.constant 0 : index
    %get3A_48 = vector.load %arg9[%get3A_46, %get3A_47] : memref<1x128xf32, #tpu.memory_space<vmem>>, vector<1x128xf32>
    %mul3A = arith.mulf %add3A_33, %add3A_33 : vector<2000x128xf32>
    %reduce_sum3A_49 = arith.constant dense<0.000000e+00> : vector<128xf32>
    %reduce_sum3A_50 = vector.multi_reduction <add>, %mul3A, %reduce_sum3A_49 [0] : vector<2000x128xf32> to vector<128xf32>
    %broadcast_in_dim3A_51 = vector.shape_cast %reduce_sum3A_50 : vector<128xf32> to vector<1x128xf32>
    %add3A_52 = arith.addf %get3A_48, %broadcast_in_dim3A_51 : vector<1x128xf32>
    %swap3A_53 = arith.constant 0 : index
    %swap3A_54 = arith.constant 0 : index
    %swap3A_55 = vector.load %arg9[%swap3A_53, %swap3A_54] : memref<1x128xf32, #tpu.memory_space<vmem>>, vector<1x128xf32>
    tpu.vector_store %arg9[%swap3A_53, %swap3A_54], %add3A_52 {strides = array<i32>} : memref<1x128xf32, #tpu.memory_space<vmem>>, vector<1x128xf32>,
    return
  }
  func.func @transform_0(%arg0: i32) -> (i32, i32) {
    %c0_i32 = arith.constant 0 : i32
    %c0_i32_0 = arith.constant 0 : i32
    return %arg0, %c0_i32 : i32, i32
  }
  func.func @transform_1(%arg0: i32) -> (i32, i32, i32) {
    %c0_i32 = arith.constant 0 : i32
    %c0_i32_0 = arith.constant 0 : i32
    %c0_i32_1 = arith.constant 0 : i32
    return %c0_i32, %arg0, %c0_i32_0 : i32, i32, i32
  }
  func.func @transform_2(%arg0: i32) -> (i32, i32) {
    %c0_i32 = arith.constant 0 : i32
    %c0_i32_0 = arith.constant 0 : i32
    %c0_i32_1 = arith.constant 0 : i32
    return %c0_i32, %c0_i32_0 : i32, i32
  }
  func.func @transform_3(%arg0: i32) -> (i32, i32) {
    %c0_i32 = arith.constant 0 : i32
    %c0_i32_0 = arith.constant 0 : i32
    %c0_i32_1 = arith.constant 0 : i32
    return %c0_i32, %c0_i32_0 : i32, i32
  }
  func.func @transform_4(%arg0: i32) -> (i32, i32) {
    %c0_i32 = arith.constant 0 : i32
    %c0_i32_0 = arith.constant 0 : i32
    %c0_i32_1 = arith.constant 0 : i32
    return %c0_i32, %c0_i32_0 : i32, i32
  }
  func.func @transform_5(%arg0: i32) -> (i32, i32) {
    %c0_i32 = arith.constant 0 : i32
    %c0_i32_0 = arith.constant 0 : i32
    %c0_i32_1 = arith.constant 0 : i32
    return %c0_i32, %c0_i32_0 : i32, i32
  }
  func.func @transform_6(%arg0: i32) -> (i32, i32) {
    %c0_i32 = arith.constant 0 : i32
    %c0_i32_0 = arith.constant 0 : i32
    return %arg0, %c0_i32 : i32, i32
  }
  func.func @transform_7(%arg0: i32) -> (i32, i32) {
    %c0_i32 = arith.constant 0 : i32
    %c0_i32_0 = arith.constant 0 : i32
    %c0_i32_1 = arith.constant 0 : i32
    return %c0_i32, %c0_i32_0 : i32, i32
  }
  func.func @transform_8(%arg0: i32) -> (i32, i32) {
    %c0_i32 = arith.constant 0 : i32
    %c0_i32_0 = arith.constant 0 : i32
    %c0_i32_1 = arith.constant 0 : i32
    return %c0_i32, %c0_i32_0 : i32, i32
  }
}

module attributes {stable_mosaic.version = 14 : i64} {
  func.func @_bn_body(%arg0: i32, %arg1: memref<2000x128xf32, #tpu.memory_space<vmem>>, %arg2: memref<1x128xf32, #tpu.memory_space<vmem>>, %arg3: memref<1x128xf32, #tpu.memory_space<vmem>>, %arg4: memref<1x128xf32, #tpu.memory_space<vmem>>, %arg5: memref<1x128xf32, #tpu.memory_space<vmem>>, %arg6: memref<2000x128xf32, #tpu.memory_space<vmem>>) attributes {dimension_semantics = [#tpu.dimension_semantics<arbitrary>], iteration_bounds = array<i64: 5>, scalar_prefetch = 0 : i64, scratch_operands = 0 : i64, tpu.core_type = #tpu.core_type<tc>, window_params = [{transform_indices = @transform_0, window_bounds = array<i64: 2000, 128>}, {pipeline_mode = #tpu.pipeline_mode<synchronous>, transform_indices = @transform_1, window_bounds = array<i64: 1, 128>}, {pipeline_mode = #tpu.pipeline_mode<synchronous>, transform_indices = @transform_2, window_bounds = array<i64: 1, 128>}, {pipeline_mode = #tpu.pipeline_mode<synchronous>, transform_indices = @transform_3, window_bounds = array<i64: 1, 128>}, {pipeline_mode = #tpu.pipeline_mode<synchronous>, transform_indices = @transform_4, window_bounds = array<i64: 1, 128>}, {transform_indices = @transform_5, window_bounds = array<i64: 2000, 128>}]} {
    %get3A = arith.constant 0 : index
    %get3A_0 = arith.constant 0 : index
    %get3A_1 = vector.load %arg2[%get3A, %get3A_0] : memref<1x128xf32, #tpu.memory_space<vmem>>, vector<1x128xf32>
    %div3A = arith.constant 1.000000e+04 : f32
    %div3A_2 = vector.broadcast %div3A : f32 to vector<1x128xf32>
    %div3A_3 = arith.divf %get3A_1, %div3A_2 : vector<1x128xf32>
    %get3A_4 = arith.constant 0 : index
    %get3A_5 = arith.constant 0 : index
    %get3A_6 = vector.load %arg3[%get3A_4, %get3A_5] : memref<1x128xf32, #tpu.memory_space<vmem>>, vector<1x128xf32>
    %div3A_7 = arith.constant 1.000000e+04 : f32
    %div3A_8 = vector.broadcast %div3A_7 : f32 to vector<1x128xf32>
    %div3A_9 = arith.divf %get3A_6, %div3A_8 : vector<1x128xf32>
    %mul3A = arith.mulf %div3A_3, %div3A_3 : vector<1x128xf32>
    %sub3A = arith.subf %div3A_9, %mul3A : vector<1x128xf32>
    %add3A = arith.constant 9.99999974E-6 : f32
    %add3A_10 = vector.broadcast %add3A : f32 to vector<1x128xf32>
    %add3A_11 = arith.addf %sub3A, %add3A_10 : vector<1x128xf32>
    %rsqrt3A = math.rsqrt %add3A_11 : vector<1x128xf32>
    %get3A_12 = arith.constant 0 : index
    %get3A_13 = arith.constant 0 : index
    %get3A_14 = vector.load %arg4[%get3A_12, %get3A_13] : memref<1x128xf32, #tpu.memory_space<vmem>>, vector<1x128xf32>
    %mul3A_15 = arith.mulf %rsqrt3A, %get3A_14 : vector<1x128xf32>
    %get3A_16 = arith.constant 0 : index
    %get3A_17 = arith.constant 0 : index
    %get3A_18 = vector.load %arg1[%get3A_16, %get3A_17] : memref<2000x128xf32, #tpu.memory_space<vmem>>, vector<2000x128xf32>
    %sub3A_19 = vector.broadcast %div3A_3 : vector<1x128xf32> to vector<2000x128xf32>
    %sub3A_20 = arith.subf %get3A_18, %sub3A_19 : vector<2000x128xf32>
    %mul3A_21 = vector.broadcast %mul3A_15 : vector<1x128xf32> to vector<2000x128xf32>
    %mul3A_22 = arith.mulf %sub3A_20, %mul3A_21 : vector<2000x128xf32>
    %get3A_23 = arith.constant 0 : index
    %get3A_24 = arith.constant 0 : index
    %get3A_25 = vector.load %arg5[%get3A_23, %get3A_24] : memref<1x128xf32, #tpu.memory_space<vmem>>, vector<1x128xf32>
    %add3A_26 = vector.broadcast %get3A_25 : vector<1x128xf32> to vector<2000x128xf32>
    %add3A_27 = arith.addf %mul3A_22, %add3A_26 : vector<2000x128xf32>
    %max3A = arith.constant 0.000000e+00 : f32
    %max3A_28 = vector.broadcast %max3A : f32 to vector<2000x128xf32>
    %max3A_29 = arith.maximumf %add3A_27, %max3A_28 : vector<2000x128xf32>
    %swap3A = arith.constant 0 : index
    %swap3A_30 = arith.constant 0 : index
    %swap3A_31 = vector.load %arg6[%swap3A, %swap3A_30] : memref<2000x128xf32, #tpu.memory_space<vmem>>, vector<2000x128xf32>
    tpu.vector_store %arg6[%swap3A, %swap3A_30], %max3A_29 {strides = array<i32>} : memref<2000x128xf32, #tpu.memory_space<vmem>>, vector<2000x128xf32>,
    return
  }
  func.func @transform_0(%arg0: i32) -> (i32, i32) {
    %c0_i32 = arith.constant 0 : i32
    %c0_i32_0 = arith.constant 0 : i32
    return %arg0, %c0_i32 : i32, i32
  }
  func.func @transform_1(%arg0: i32) -> (i32, i32) {
    %c0_i32 = arith.constant 0 : i32
    %c0_i32_0 = arith.constant 0 : i32
    %c0_i32_1 = arith.constant 0 : i32
    return %c0_i32, %c0_i32_0 : i32, i32
  }
  func.func @transform_2(%arg0: i32) -> (i32, i32) {
    %c0_i32 = arith.constant 0 : i32
    %c0_i32_0 = arith.constant 0 : i32
    %c0_i32_1 = arith.constant 0 : i32
    return %c0_i32, %c0_i32_0 : i32, i32
  }
  func.func @transform_3(%arg0: i32) -> (i32, i32) {
    %c0_i32 = arith.constant 0 : i32
    %c0_i32_0 = arith.constant 0 : i32
    %c0_i32_1 = arith.constant 0 : i32
    return %c0_i32, %c0_i32_0 : i32, i32
  }
  func.func @transform_4(%arg0: i32) -> (i32, i32) {
    %c0_i32 = arith.constant 0 : i32
    %c0_i32_0 = arith.constant 0 : i32
    %c0_i32_1 = arith.constant 0 : i32
    return %c0_i32, %c0_i32_0 : i32, i32
  }
  func.func @transform_5(%arg0: i32) -> (i32, i32) {
    %c0_i32 = arith.constant 0 : i32
    %c0_i32_0 = arith.constant 0 : i32
    return %arg0, %c0_i32 : i32, i32
  }
}

module attributes {stable_mosaic.version = 14 : i64} {
  func.func @_pool_body(%arg0: i32, %arg1: memref<2000x128xf32, #tpu.memory_space<vmem>>, %arg2: memref<1x128xf32, #tpu.memory_space<vmem>>, %arg3: memref<1x128xf32, #tpu.memory_space<vmem>>, %arg4: memref<1x128xf32, #tpu.memory_space<vmem>>, %arg5: memref<1x128xf32, #tpu.memory_space<vmem>>, %arg6: memref<2000x1xi32, #tpu.memory_space<vmem>>, %arg7: memref<128x128xf32, #tpu.memory_space<vmem>>, %arg8: memref<1x128xf32, #tpu.memory_space<vmem>>, %arg9: memref<64x128xf32, #tpu.memory_space<vmem>>, %arg10: memref<64x128xf32, #tpu.memory_space<vmem>>, %arg11: memref<1x64xf32, #tpu.memory_space<vmem>>) attributes {dimension_semantics = [#tpu.dimension_semantics<arbitrary>], iteration_bounds = array<i64: 5>, scalar_prefetch = 0 : i64, scratch_operands = 2 : i64, tpu.core_type = #tpu.core_type<tc>, window_params = [{transform_indices = @transform_0, window_bounds = array<i64: 2000, 128>}, {pipeline_mode = #tpu.pipeline_mode<synchronous>, transform_indices = @transform_1, window_bounds = array<i64: 1, 128>}, {pipeline_mode = #tpu.pipeline_mode<synchronous>, transform_indices = @transform_2, window_bounds = array<i64: 1, 128>}, {pipeline_mode = #tpu.pipeline_mode<synchronous>, transform_indices = @transform_3, window_bounds = array<i64: 1, 128>}, {pipeline_mode = #tpu.pipeline_mode<synchronous>, transform_indices = @transform_4, window_bounds = array<i64: 1, 128>}, {transform_indices = @transform_5, window_bounds = array<i64: 2000, 1>}, {pipeline_mode = #tpu.pipeline_mode<synchronous>, transform_indices = @transform_6, window_bounds = array<i64: 128, 128>}, {pipeline_mode = #tpu.pipeline_mode<synchronous>, transform_indices = @transform_7, window_bounds = array<i64: 1, 128>}, {pipeline_mode = #tpu.pipeline_mode<synchronous>, transform_indices = @transform_8, window_bounds = array<i64: 64, 128>}]} {
    %eq3A = arith.constant 0 : i32
    %eq3A_0 = arith.cmpi eq, %arg0, %eq3A : i32
    %convert_element_type3A = arith.extui %eq3A_0 : i1 to i32
    %cond3A = arith.constant 0 : i32
    %cond3A_1 = arith.cmpi ne, %convert_element_type3A, %cond3A : i32
    scf.if %cond3A_1 {
      %broadcast_in_dim3A_60 = arith.constant 0.000000e+00 : f32
      %broadcast_in_dim3A_61 = vector.broadcast %broadcast_in_dim3A_60 : f32 to vector<64x128xf32>
      %swap3A_62 = arith.constant 0 : index
      %swap3A_63 = arith.constant 0 : index
      %swap3A_64 = vector.load %arg10[%swap3A_62, %swap3A_63] : memref<64x128xf32, #tpu.memory_space<vmem>>, vector<64x128xf32>
      tpu.vector_store %arg10[%swap3A_62, %swap3A_63], %broadcast_in_dim3A_61 {strides = array<i32>} : memref<64x128xf32, #tpu.memory_space<vmem>>, vector<64x128xf32>,
      %broadcast_in_dim3A_65 = arith.constant 0.000000e+00 : f32
      %broadcast_in_dim3A_66 = vector.broadcast %broadcast_in_dim3A_65 : f32 to vector<1x64xf32>
      %swap3A_67 = arith.constant 0 : index
      %swap3A_68 = arith.constant 0 : index
      %swap3A_69 = vector.load %arg11[%swap3A_67, %swap3A_68] : memref<1x64xf32, #tpu.memory_space<vmem>>, vector<1x64xf32>
      tpu.vector_store %arg11[%swap3A_67, %swap3A_68], %broadcast_in_dim3A_66 {strides = array<i32>} : memref<1x64xf32, #tpu.memory_space<vmem>>, vector<1x64xf32>,
    } else {
    }
    %get3A = arith.constant 0 : index
    %get3A_2 = arith.constant 0 : index
    %get3A_3 = vector.load %arg2[%get3A, %get3A_2] : memref<1x128xf32, #tpu.memory_space<vmem>>, vector<1x128xf32>
    %div3A = arith.constant 1.000000e+04 : f32
    %div3A_4 = vector.broadcast %div3A : f32 to vector<1x128xf32>
    %div3A_5 = arith.divf %get3A_3, %div3A_4 : vector<1x128xf32>
    %get3A_6 = arith.constant 0 : index
    %get3A_7 = arith.constant 0 : index
    %get3A_8 = vector.load %arg3[%get3A_6, %get3A_7] : memref<1x128xf32, #tpu.memory_space<vmem>>, vector<1x128xf32>
    %div3A_9 = arith.constant 1.000000e+04 : f32
    %div3A_10 = vector.broadcast %div3A_9 : f32 to vector<1x128xf32>
    %div3A_11 = arith.divf %get3A_8, %div3A_10 : vector<1x128xf32>
    %mul3A = arith.mulf %div3A_5, %div3A_5 : vector<1x128xf32>
    %sub3A = arith.subf %div3A_11, %mul3A : vector<1x128xf32>
    %add3A = arith.constant 9.99999974E-6 : f32
    %add3A_12 = vector.broadcast %add3A : f32 to vector<1x128xf32>
    %add3A_13 = arith.addf %sub3A, %add3A_12 : vector<1x128xf32>
    %rsqrt3A = math.rsqrt %add3A_13 : vector<1x128xf32>
    %get3A_14 = arith.constant 0 : index
    %get3A_15 = arith.constant 0 : index
    %get3A_16 = vector.load %arg4[%get3A_14, %get3A_15] : memref<1x128xf32, #tpu.memory_space<vmem>>, vector<1x128xf32>
    %mul3A_17 = arith.mulf %rsqrt3A, %get3A_16 : vector<1x128xf32>
    %get3A_18 = arith.constant 0 : index
    %get3A_19 = arith.constant 0 : index
    %get3A_20 = vector.load %arg1[%get3A_18, %get3A_19] : memref<2000x128xf32, #tpu.memory_space<vmem>>, vector<2000x128xf32>
    %sub3A_21 = vector.broadcast %div3A_5 : vector<1x128xf32> to vector<2000x128xf32>
    %sub3A_22 = arith.subf %get3A_20, %sub3A_21 : vector<2000x128xf32>
    %mul3A_23 = vector.broadcast %mul3A_17 : vector<1x128xf32> to vector<2000x128xf32>
    %mul3A_24 = arith.mulf %sub3A_22, %mul3A_23 : vector<2000x128xf32>
    %get3A_25 = arith.constant 0 : index
    %get3A_26 = arith.constant 0 : index
    %get3A_27 = vector.load %arg5[%get3A_25, %get3A_26] : memref<1x128xf32, #tpu.memory_space<vmem>>, vector<1x128xf32>
    %add3A_28 = vector.broadcast %get3A_27 : vector<1x128xf32> to vector<2000x128xf32>
    %add3A_29 = arith.addf %mul3A_24, %add3A_28 : vector<2000x128xf32>
    %max3A = arith.constant 0.000000e+00 : f32
    %max3A_30 = vector.broadcast %max3A : f32 to vector<2000x128xf32>
    %max3A_31 = arith.maximumf %add3A_29, %max3A_30 : vector<2000x128xf32>
    %get3A_32 = arith.constant 0 : index
    %get3A_33 = arith.constant 0 : index
    %get3A_34 = vector.load %arg6[%get3A_32, %get3A_33] : memref<2000x1xi32, #tpu.memory_space<vmem>>, vector<2000x1xi32>
    %iota3A = tpu.iota {dimensions = array<i32: 1>} : vector<1x64xi32>
    %eq3A_35 = vector.broadcast %get3A_34 : vector<2000x1xi32> to vector<2000x64xi32>
    %eq3A_36 = vector.broadcast %iota3A : vector<1x64xi32> to vector<2000x64xi32>
    %eq3A_37 = arith.cmpi eq, %eq3A_35, %eq3A_36 : vector<2000x64xi32>
    %convert_element_type3A_38 = arith.extui %eq3A_37 : vector<2000x64xi1> to vector<2000x64xi32>
    %convert_element_type3A_39 = arith.sitofp %convert_element_type3A_38 : vector<2000x64xi32> to vector<2000x64xf32>
    %get3A_40 = arith.constant 0 : index
    %get3A_41 = arith.constant 0 : index
    %get3A_42 = vector.load %arg10[%get3A_40, %get3A_41] : memref<64x128xf32, #tpu.memory_space<vmem>>, vector<64x128xf32>
    %dot_general3A = arith.constant dense<0.000000e+00> : vector<64x128xf32>
    %dot_general3A_43 = tpu.matmul %convert_element_type3A_39, %max3A_31, %dot_general3A {dimension_numbers = #tpu.dot_dimension_numbers<[0], [0], [1], [1], [0, 1, 1, 1], [], []>, transpose_lhs_hint = false} : vector<2000x64xf32>, vector<2000x128xf32>, vector<64x128xf32> -> vector<64x128xf32>
    %add3A_44 = arith.addf %get3A_42, %dot_general3A_43 : vector<64x128xf32>
    %swap3A = arith.constant 0 : index
    %swap3A_45 = arith.constant 0 : index
    %swap3A_46 = vector.load %arg10[%swap3A, %swap3A_45] : memref<64x128xf32, #tpu.memory_space<vmem>>, vector<64x128xf32>
    tpu.vector_store %arg10[%swap3A, %swap3A_45], %add3A_44 {strides = array<i32>} : memref<64x128xf32, #tpu.memory_space<vmem>>, vector<64x128xf32>,
    %get3A_47 = arith.constant 0 : index
    %get3A_48 = arith.constant 0 : index
    %get3A_49 = vector.load %arg11[%get3A_47, %get3A_48] : memref<1x64xf32, #tpu.memory_space<vmem>>, vector<1x64xf32>
    %reduce_sum3A = arith.constant dense<0.000000e+00> : vector<64xf32>
    %reduce_sum3A_50 = vector.multi_reduction <add>, %convert_element_type3A_39, %reduce_sum3A [0] : vector<2000x64xf32> to vector<64xf32>
    %broadcast_in_dim3A = vector.shape_cast %reduce_sum3A_50 : vector<64xf32> to vector<1x64xf32>
    %add3A_51 = arith.addf %get3A_49, %broadcast_in_dim3A : vector<1x64xf32>
    %swap3A_52 = arith.constant 0 : index
    %swap3A_53 = arith.constant 0 : index
    %swap3A_54 = vector.load %arg11[%swap3A_52, %swap3A_53] : memref<1x64xf32, #tpu.memory_space<vmem>>, vector<1x64xf32>
    tpu.vector_store %arg11[%swap3A_52, %swap3A_53], %add3A_51 {strides = array<i32>} : memref<1x64xf32, #tpu.memory_space<vmem>>, vector<1x64xf32>,
    %eq3A_55 = arith.constant 4 : i32
    %eq3A_56 = arith.cmpi eq, %arg0, %eq3A_55 : i32
    %convert_element_type3A_57 = arith.extui %eq3A_56 : i1 to i32
    %cond3A_58 = arith.constant 0 : i32
    %cond3A_59 = arith.cmpi ne, %convert_element_type3A_57, %cond3A_58 : i32
    scf.if %cond3A_59 {
      %get3A_60 = arith.constant 0 : index
      %get3A_61 = arith.constant 0 : index
      %get3A_62 = vector.load %arg10[%get3A_60, %get3A_61] : memref<64x128xf32, #tpu.memory_space<vmem>>, vector<64x128xf32>
      %get3A_63 = arith.constant 0 : index
      %get3A_64 = arith.constant 0 : index
      %get3A_65 = vector.load %arg11[%get3A_63, %get3A_64] : memref<1x64xf32, #tpu.memory_space<vmem>>, vector<1x64xf32>
      %max3A_66 = arith.constant 1.000000e+00 : f32
      %max3A_67 = vector.broadcast %max3A_66 : f32 to vector<1x64xf32>
      %max3A_68 = arith.maximumf %get3A_65, %max3A_67 : vector<1x64xf32>
      %reshape3A = vector.shape_cast %max3A_68 : vector<1x64xf32> to vector<64x1xf32>
      %div3A_69 = vector.broadcast %reshape3A : vector<64x1xf32> to vector<64x128xf32>
      %div3A_70 = arith.divf %get3A_62, %div3A_69 : vector<64x128xf32>
      %get3A_71 = arith.constant 0 : index
      %get3A_72 = arith.constant 0 : index
      %get3A_73 = vector.load %arg7[%get3A_71, %get3A_72] : memref<128x128xf32, #tpu.memory_space<vmem>>, vector<128x128xf32>
      %dot_general3A_74 = arith.constant dense<0.000000e+00> : vector<64x128xf32>
      %dot_general3A_75 = tpu.matmul %div3A_70, %get3A_73, %dot_general3A_74 {dimension_numbers = #tpu.dot_dimension_numbers<[1], [0], [0], [1], [0, 0, 1, 1], [], []>, transpose_lhs_hint = false} : vector<64x128xf32>, vector<128x128xf32>, vector<64x128xf32> -> vector<64x128xf32>
      %get3A_76 = arith.constant 0 : index
      %get3A_77 = arith.constant 0 : index
      %get3A_78 = vector.load %arg8[%get3A_76, %get3A_77] : memref<1x128xf32, #tpu.memory_space<vmem>>, vector<1x128xf32>
      %add3A_79 = vector.broadcast %get3A_78 : vector<1x128xf32> to vector<64x128xf32>
      %add3A_80 = arith.addf %dot_general3A_75, %add3A_79 : vector<64x128xf32>
      %reduce_max3A = arith.constant dense<0xFF800000> : vector<64xf32>
      %reduce_max3A_81 = vector.multi_reduction <maximumf>, %add3A_80, %reduce_max3A [1] : vector<64x128xf32> to vector<64xf32>
      %broadcast_in_dim3A_82 = vector.shape_cast %reduce_max3A_81 : vector<64xf32> to vector<64x1xf32>
      %sub3A_83 = vector.broadcast %broadcast_in_dim3A_82 : vector<64x1xf32> to vector<64x128xf32>
      %sub3A_84 = arith.subf %add3A_80, %sub3A_83 : vector<64x128xf32>
      %exp3A = math.exp %sub3A_84 : vector<64x128xf32>
      %reduce_sum3A_85 = arith.constant dense<0.000000e+00> : vector<64xf32>
      %reduce_sum3A_86 = vector.multi_reduction <add>, %exp3A, %reduce_sum3A_85 [1] : vector<64x128xf32> to vector<64xf32>
      %broadcast_in_dim3A_87 = vector.shape_cast %reduce_sum3A_86 : vector<64xf32> to vector<64x1xf32>
      %log3A = math.log %broadcast_in_dim3A_87 : vector<64x1xf32>
      %add3A_88 = arith.addf %log3A, %broadcast_in_dim3A_82 : vector<64x1xf32>
      %sub3A_89 = vector.broadcast %add3A_88 : vector<64x1xf32> to vector<64x128xf32>
      %sub3A_90 = arith.subf %add3A_80, %sub3A_89 : vector<64x128xf32>
      %swap3A_91 = arith.constant 0 : index
      %swap3A_92 = arith.constant 0 : index
      %swap3A_93 = vector.load %arg9[%swap3A_91, %swap3A_92] : memref<64x128xf32, #tpu.memory_space<vmem>>, vector<64x128xf32>
      tpu.vector_store %arg9[%swap3A_91, %swap3A_92], %sub3A_90 {strides = array<i32>} : memref<64x128xf32, #tpu.memory_space<vmem>>, vector<64x128xf32>,
    } else {
    }
    return
  }
  func.func @transform_0(%arg0: i32) -> (i32, i32) {
    %c0_i32 = arith.constant 0 : i32
    %c0_i32_0 = arith.constant 0 : i32
    return %arg0, %c0_i32 : i32, i32
  }
  func.func @transform_1(%arg0: i32) -> (i32, i32) {
    %c0_i32 = arith.constant 0 : i32
    %c0_i32_0 = arith.constant 0 : i32
    %c0_i32_1 = arith.constant 0 : i32
    return %c0_i32, %c0_i32_0 : i32, i32
  }
  func.func @transform_2(%arg0: i32) -> (i32, i32) {
    %c0_i32 = arith.constant 0 : i32
    %c0_i32_0 = arith.constant 0 : i32
    %c0_i32_1 = arith.constant 0 : i32
    return %c0_i32, %c0_i32_0 : i32, i32
  }
  func.func @transform_3(%arg0: i32) -> (i32, i32) {
    %c0_i32 = arith.constant 0 : i32
    %c0_i32_0 = arith.constant 0 : i32
    %c0_i32_1 = arith.constant 0 : i32
    return %c0_i32, %c0_i32_0 : i32, i32
  }
  func.func @transform_4(%arg0: i32) -> (i32, i32) {
    %c0_i32 = arith.constant 0 : i32
    %c0_i32_0 = arith.constant 0 : i32
    %c0_i32_1 = arith.constant 0 : i32
    return %c0_i32, %c0_i32_0 : i32, i32
  }
  func.func @transform_5(%arg0: i32) -> (i32, i32) {
    %c0_i32 = arith.constant 0 : i32
    %c0_i32_0 = arith.constant 0 : i32
    return %arg0, %c0_i32 : i32, i32
  }
  func.func @transform_6(%arg0: i32) -> (i32, i32) {
    %c0_i32 = arith.constant 0 : i32
    %c0_i32_0 = arith.constant 0 : i32
    %c0_i32_1 = arith.constant 0 : i32
    return %c0_i32, %c0_i32_0 : i32, i32
  }
  func.func @transform_7(%arg0: i32) -> (i32, i32) {
    %c0_i32 = arith.constant 0 : i32
    %c0_i32_0 = arith.constant 0 : i32
    %c0_i32_1 = arith.constant 0 : i32
    return %c0_i32, %c0_i32_0 : i32, i32
  }
  func.func @transform_8(%arg0: i32) -> (i32, i32) {
    %c0_i32 = arith.constant 0 : i32
    %c0_i32_0 = arith.constant 0 : i32
    %c0_i32_1 = arith.constant 0 : i32
    return %c0_i32, %c0_i32_0 : i32, i32
  }
}

</mosaic_0001>

<sc_bundles>
// kernel: kernel.11.cloned.1.call-start
scs
__scs_entry_jumppad:
0x0: {  	(pc) =	sbr.rel $0x88, $3  }
0x1: {  	(tag) =	ssettag $0x0;
	lr =	simm.s32 $0x1  }
0x2: {  	[smem:$0x3F90] =	sst lr;
	_ =	strace $0xD0000000  }
0x3: {  	_ = 	snop  }
0x4: {  	_ = 	snop  }
0x5: {  	_ = 	snop  }
0x6: {  	_ = 	snop  }
0x7: {  	_ = 	snop  }
__scs_overlays_trampoline_lowered:
0x8: {  	[smem:$0x3F9F] =	sst s0  }
0x9: {  	[smem:$0x3FA0] =	sst s1  }
0xa: {  	[smem:$0x3FA1] =	sst s2  }
0xb: {  	[smem:$0x3FA2] =	sst s3  }
0xc: {  	[smem:$0x3FA3] =	sst s4  }
0xd: {  	[smem:$0x3FA4] =	sst s5  }
0xe: {  	[smem:$0x3FA5] =	sst s6  }
0xf: {  	[smem:$0x3FA6] =	sst s7  }
0x10: {  	[smem:$0x3FA7] =	sst s8  }
0x11: {  	[smem:$0x3FA8] =	sst s9;
	s0 =	simm.s32 @!p0 $0x0  }
0x12: {  	s1 =	sld [smem:$0x3F8E];
	s0 =	simm.s32 @p0 $0x1  }
0x13: {  	[smem:$0x3FA9] =	sst s0;
	s0 =	simm.s32 @!p1 $0x0  }
0x14: {  	s2 =	sld [smem:$0x3F8D];
	s0 =	simm.s32 @p1 $0x1  }
0x15: {  	[smem:$0x3FAA] =	sst s0;
	s0 =	simm.s32 @!p2 $0x0  }
0x16: {  	s3 =	sld [smem:$0x3FDB];
	s0 =	simm.s32 @p2 $0x1  }
0x17: {  	s4 =	simm.s32 $0x1BF5;
	[smem:$0x3FAC] =	sst s0  }
0x18: {  	s0 =	sld [smem:$0x3F8F];
	_ =	swait.ge [sflag:s4], $0x0  }
0x19: {  	s7 =	sld [smem:$0x3F90]  }
0x1a: {  	s8 =	sadd.s32 $0xFFFFE003, lr  }
0x1b: {  	s9 =	sadd.s32 $0xFFFFFEF7, lr;
	s5 =	simm.s32 $0xFFFFFFFF;
	p2 =	slt.u32 s8, $0xFFFFF086  }
0x1c: {  	p1 =	slt.u32 s9, $0xF7A;
	s5 =	simm.s32 @!p2 $0x0  }
0x1d: {  	s5 =	simm.s32 @p1 $0x1;
	p0 =	seq.s32 s7, s2  }
0x1e: {  	s7 =	smul.u32 @!p0 $0xF7A, s2;
	p2 =	seq.s32 @!p0 s5, $0x0  }
0x1f: {  	s9 =	smul.u32 $0xF7A, s1;
	s8 =	simm.s32 @!p0 $0x1BF5;
	p2 =	por !p2, p0  }
0x20: {  	[sflag:s8] =	ssyncset.s32 @!p0 $0xFFFFF086;
	s6 =	sadd.s32 @!p0 s3, s7;
	s7 =	simm.s32 @!p0 $0x108  }
0x21: {  	s3 =	sadd.s32 s3, s9;
	s6 =	sadd.s32 @!p0 $0x88, s6;
	s7 =	simm.s32 @p2 $0x1082  }
0x22: {  	[simem:s7], [sflag:s8] =	dma.local @!p0 [hbm:s6], $0xF7A  }
0x23: {  	s9 =	sor.u32 $0xD0000000, s2;
	s6 =	simm.s32 $0x108;
	_ =	swait.ge @!p0 [sflag:s8], $0x0  }
0x24: {  	s3 =	sadd.s32 $0x88, s3;
	s6 =	simm.s32 @!p1 $0x1082;
	[sflag:s4] =	ssyncset.s32 $0xFFFFF086  }
0x25: {  	[simem:s6], [sflag:s4] =	dma.local [hbm:s3], $0xF7A  }
0x26: {  	[smem:$0x3F90] =	sst s1;
	(tag) =	ssettag s2;
	_ =	strace s9  }
0x27: {  	s1 =	sld [smem:$0x3FA0]  }
0x28: {  	s2 =	sld [smem:$0x3FA1]  }
0x29: {  	s4 =	sld [smem:$0x3FA3]  }
0x2a: {  	p0 =	seq.s32 s5, $0x0;
	s5 =	sld [smem:$0x3FA4]  }
0x2b: {  	s6 =	sld [smem:$0x3FA5]  }
0x2c: {  	s7 =	sld [smem:$0x3FA6]  }
0x2d: {  	s3 =	simm.s32 $0x108;
	s8 =	sld [smem:$0x3FA7]  }
0x2e: {  	s3 =	simm.s32 @!p0 $0x1082;
	s9 =	sld [smem:$0x3FA8]  }
0x2f: {  	lr =	sadd.s32 s0, s3;
	s0 =	sld [smem:$0x3F9F]  }
0x30: {  	s3 =	sld [smem:$0x3FA2]  }
0x31: {  	[smem:$0x3FAB] =	sst s10  }
0x32: {  	s10 =	sld [smem:$0x3FA9];
	_ =	sdelay $0x3  }
0x33: {  	p0 =	seq.s32 s10, $0x1;
	s10 =	sld [smem:$0x3FAB];
	_ =	sdelay $0x3  }
0x34: {  	[smem:$0x3FAB] =	sst s10  }
0x35: {  	s10 =	sld [smem:$0x3FAA];
	_ =	sdelay $0x3  }
0x36: {  	p1 =	seq.s32 s10, $0x1;
	s10 =	sld [smem:$0x3FAB];
	_ =	sdelay $0x3  }
0x37: {  	[smem:$0x3FAB] =	sst s10  }
0x38: {  	s10 =	sld [smem:$0x3FAC]  }
0x39: {  	_ = 	snop;
	(pc) =	sbr.ind lr, $3  }
0x3a: {  	_ = 	snop  }
0x3b: {  	_ = 	snop  }
0x3c: {  	p2 =	seq.s32 s10, $0x1;
	s10 =	sld [smem:$0x3FAB]  }
0x3d: {  	_ =	shalt  }
0x3e: {  	_ =	shalt  }
0x3f: {  	_ =	shalt  }
0x40: {  	_ =	shalt  }
0x41: {  	_ =	shalt  }
0x42: {  	_ =	shalt  }
0x43: {  	_ =	shalt  }
0x44: {  	_ =	shalt  }
0x45: {  	_ =	shalt  }
0x46: {  	_ =	shalt  }
0x47: {  	_ =	shalt  }
0x48: {  	_ =	shalt  }
0x49: {  	_ =	shalt  }
0x4a: {  	_ =	shalt  }
0x4b: {  	_ =	shalt  }
0x4c: {  	_ =	shalt  }
0x4d: {  	_ =	shalt  }
0x4e: {  	_ =	shalt  }
0x4f: {  	_ =	shalt  }
0x50: {  	_ =	shalt  }
0x51: {  	_ =	shalt  }
0x52: {  	_ =	shalt  }
0x53: {  	_ =	shalt  }
0x54: {  	_ =	shalt  }
0x55: {  	_ =	shalt  }
0x56: {  	_ =	shalt  }
0x57: {  	_ =	shalt  }
0x58: {  	_ =	shalt  }
0x59: {  	_ =	shalt  }
0x5a: {  	_ =	shalt  }
0x5b: {  	_ =	shalt  }
0x5c: {  	_ =	shalt  }
0x5d: {  	_ =	shalt  }
0x5e: {  	_ =	shalt  }
0x5f: {  	_ =	shalt  }
0x60: {  	_ =	shalt  }
0x61: {  	_ =	shalt  }
0x62: {  	_ =	shalt  }
0x63: {  	_ =	shalt  }
0x64: {  	_ =	shalt  }
0x65: {  	_ =	shalt  }
0x66: {  	_ =	shalt  }
0x67: {  	_ =	shalt  }
0x68: {  	_ =	shalt  }
0x69: {  	_ =	shalt  }
0x6a: {  	_ =	shalt  }
0x6b: {  	_ =	shalt  }
0x6c: {  	_ =	shalt  }
0x6d: {  	_ =	shalt  }
0x6e: {  	_ =	shalt  }
0x6f: {  	_ =	shalt  }
0x70: {  	_ =	shalt  }
0x71: {  	_ =	shalt  }
0x72: {  	_ =	shalt  }
0x73: {  	_ =	shalt  }
0x74: {  	_ =	shalt  }
0x75: {  	_ =	shalt  }
0x76: {  	_ =	shalt  }
0x77: {  	_ =	shalt  }
0x78: {  	_ =	shalt  }
0x79: {  	_ =	shalt  }
0x7a: {  	_ =	shalt  }
0x7b: {  	_ =	shalt  }
0x7c: {  	_ =	shalt  }
0x7d: {  	_ =	shalt  }
0x7e: {  	_ =	shalt  }
0x7f: {  	_ =	shalt  }
0x80: {  	_ =	shalt  }
0x81: {  	_ =	shalt  }
0x82: {  	_ =	shalt  }
0x83: {  	_ =	shalt  }
0x84: {  	_ =	shalt  }
0x85: {  	_ =	shalt  }
0x86: {  	_ =	shalt  }
0x87: {  	_ =	shalt  }
.Lfunc_end0:
.L_simem_size_0:
called_computation.1_lowered:
.L_overlay_start_0:
0x88: {  	s2 =	sld [smem:$0x3FD9]  }
0x89: {  	s3 =	sld [smem:$0x3FFE];
	_ =	sdelay $0x1  }
0x8a: {  	s1 =	srdreg.scid  }
0x8b: {  	s0 =	sand.u32 $0x1, s1  }
0x8c: {  	s16 =	sshll.u32 s0, $0xA;
	s2 =	sadd.s32 s3, s2  }
0x8d: {  	s2 =	sadd.s32 s2, s16  }
0x8e: {  	[smem:$0x3FB7] =	sst s2  }
0x8f: {  	_ = 	snop  }
0x90: {  	(tm) =	ssettm $0x1  }
0x91: {  	s17 =	sld [smem:$0x3FFB];
	_ =	sdelay $0x3  }
0x92: {  	_ =	strace s17  }
0x93: {  	s2 =	sld [smem:$0x3FFC];
	_ =	sdelay $0x3  }
0x94: {  	_ =	strace s2  }
0x95: {  	s2 =	sld [smem:$0x3FFD];
	_ =	sdelay $0x3  }
0x96: {  	_ =	strace s2  }
0x97: {  	_ =	strace $0x8FFFFFFF  }
0x98: {  	s18 =	sld [smem:$0x3FDB];
	_ =	sdelay $0x1  }
0x99: {  	s19 =	simm.s32 $_scs_section_size  }
0x9a: {  	s4 =	simm.s32 $_size__tile_overlayer_lowered;
	s5 =	simm.s32 $_tile_overlayer_lowered  }
0x9b: {  	s22 =	simm.s32 $0x1BFF;
	s21 =	sshll.u32 s5, $0x1;
	s2 =	sadd.s32 s19, s18  }
0x9c: {  	s6 =	simm.s32 $0x0;
	s20 =	sshll.u32 s4, $0x1;
	s4 =	sadd.s32 s21, s2  }
0x9d: {  	[timem:s6], [sflag:s22] =	dma.local [hbm:s4], s20  }
0x9e: {  	_ =	swait.ge [sflag:s22], s20  }
0x9f: {  	s3 =	ssub.s32 $0x0, s20;
	[sflag:s22] =	ssyncset.done $0x0  }
0xa0: {  	[sflag:s22] =	ssyncadd.s32 s3;
	_ =	sdelay $0x1  }
0xa1: {  	s23 =	simm.s32 $0x1B8B  }
0xa2: {  	_ =	swait.ge [sflag:s23], $0x1  }
0xa3: {  	[sflag:s23] =	ssyncset.done $0x0  }
0xa4: {  	s25 =	simm.s32 $0x1B8E;
	s24 =	sld [smem:$0x3FFE];
	[sflag:s23] =	ssyncadd.s32 $0xFFFFFFFF  }
0xa5: {  	s26 =	simm.s32 $execute0_lowered;
	[smem:$0x3FD2] =	sst s25  }
0xa6: {  	s4 =	sshll.u32 s26, $0x1;
	_ =	strace $0x80000049;
	[dreg:$0x1] =	wrdreg $0xFFFFFFFF  }
0xa7: {  	s28 =	simm.s32 $_size_execute0_lowered;
	s2 =	sadd.s32 s2, s4;
	[dreg:$0x0] =	wrdreg $0x0  }
0xa8: {  	s4 =	sshll.u32 s28, $0x1;
	[dreg:$0x2] =	wrdreg s2  }
0xa9: {  	[dreg:$0x3] =	wrdreg s4  }
0xaa: {  	[dreg:$0x4] =	wrdreg $0xC0  }
0xab: {  	_ =	task [dreg:s6], $0x5FFFF  }
0xac: {  	[dreg:$0x1] =	wrdreg $0xFFFFFFFF  }
0xad: {  	[dreg:$0x0] =	wrdreg $0x60  }
0xae: {  	[dreg:$0x2] =	wrdreg s24  }
0xaf: {  	[dreg:$0x3] =	wrdreg $0x98000  }
0xb0: {  	[dreg:$0x4] =	wrdreg $0x9  }
0xb1: {  	_ =	task.clear_ibuf [dreg:s6], $0x5FFFF;
	_ =	strace $0x90000049  }
0xb2: {  	s29 =	simm.s32 $0x9;
	_ =	strace $0x8000004B  }
0xb3: {  	_ =	swait.ge [sflag:s29], $0x1  }
0xb4: {  	[sflag:s29] =	ssyncadd.s32 $0xFFFFFFFF  }
0xb5: {  	_ =	strace $0x9000004B  }
0xb6: {  	_ =	sfence  }
0xb7: {  	s30 =	sld [smem:$0x0];
	_ =	sdelay $0x2  }
0xb8: {  	s31 =	sshll.u32 s1, $0xD;
	s1 =	sshrl.u32 s1, $0x2  }
0xb9: {  	s3 =	sand.u32 $0x4000, s31;
	s1 =	sadd.s32 s1, s30  }
0xba: {  	s0 =	sor.u32 s3, s0;
	s1 =	sshll.u32 s1, $0x11  }
0xbb: {  	s0 =	sor.u32 s1, s0  }
0xbc: {  	s0 =	sadd.s32 $0x8F2B, s0  }
0xbd: {  	[sflag:s0] =	ssyncadd.remote.s32 $0x1  }
0xbe: {  	_ =	sfence.sel $0xFFFF  }
0xbf: {  	[dreg:$0x0] =	wrdreg $0xFFFFFFFF;
	(pc) =	sbr.abs _section_cstart, $3  }
0xc0: {  	[dreg:$0x1] =	wrdreg $0xFFFFFFFF  }
0xc1: {  	_ =	task.clear_ibuf [dreg:s6], $0x2FFFF;
	_ =	strace $0x9FFFFFFF  }
0xc2: {  	(tm) =	ssettm $0x7FFFFFFF  }
0xc3: {  	_ =	shalt  }
tec
execute0_lowered:
.L_overlay_start_1:
0x0: {  	(tag) =	ssettag $0x1  }
0x1: {  	s1 =	srdreg.scid  }
0x2: {  	s0 =	stileid.u32;
	s9 =	rddreg [dreg:$0x0]  }
0x3: {  	s2 =	rddreg [dreg:$0x1];
	s3 =	simm.s32 $0x0;
	s17 =	simm.s32 $0x5800  }
0x4: {  	s18 =	simm.s32 $0x1;
	s5 =	sand.u32 $0x1, s1;
	s7 =	smul.u32 $0x4E, s0  }
0x5: {  	s6 =	smin.u32 s0, $0x2;
	[smem:$0x7FF] =	sst s3;
	s16 =	smul.u32 $0x4F000, s0  }
0x6: {  	s30 =	sshll.u32 s0, $0x6;
	p0 =	slt.u32 s0, $0x2;
	s20 =	smul.u32 $0x2780, s0  }
0x7: {  	s31 =	sadd.s32 $0xD680, s9;
	s1 =	ssub.s32 $0x0, s5;
	s28 =	smul.u32 $0x27800, s5  }
0x8: {  	s12 =	ssub.s32 $0x2, s5;
	s5 =	sadd.s32 $0x17400, s9;
	s8 =	sand.u32 $0x4E2, s1  }
0x9: {  	s4 =	sadd.s32 s7, s6;
	s1 =	rddreg [dreg:$0x2];
	_ =	strace $0x8000004A  }
0xa: {  	s15 =	sshrl.u32 s12, $0x1;
	s29 =	sshrl.u32 s16, $0x2;
	s16 =	simm.s32 $0x80  }
0xb: {  	s4 =	sadd.s32 s8, s4;
	s12 =	ssub.s32 s12, s15;
	s8 =	sadd.s32 s6, s8  }
0xc: {  	s15 =	sadd.s32 s29, s2;
	s6 =	sor.u32 $0x1C02, s30;
	s10 =	sand.u32 $0x1FF8, s4  }
0xd: {  	s4 =	sadd.s32 $0x19C00, s9;
	s8 =	sadd.s32 s7, s8;
	s7 =	simm.s32 $0x4F  }
0xe: {  	s11 =	smin.u32 s10, $0x970;
	s10 =	ssub.s32 s8, s10;
	s7 =	simm.s32 @!p0 $0x4E  }
0xf: {  	s14 =	sshll.u32 s11, $0x4;
	s11 =	sadd.s32 s28, s9;
	s10 =	sshll.u32 s10, $0x9  }
0x10: {  	s13 =	sadd.s32 s14, s9;
	s19 =	sadd.s32 $0x40E00, s11;
	s9 =	sshra.s32 s10, $0x2  }
0x11: {  	s10 =	smax.u32 s12, $0x1;
	s12 =	sshrl.u32 s15, $0x3;
	s14 =	sadd.s32 s14, s31  }
0x12: {  	s15 =	simm.s32 $0x2C00;
	s8 =	sadd.s32 $0x3A00, s13;
	s11 =	sadd.s32 $0x2C00, s9  }
0x13: {  	s13 =	simm.s32 $0x2;
	s19 =	sadd.s32 s20, s19;
	s20 =	simm.s32 $0x0  }
.LBB2_1:
0x14: {  	[spmem:s12], [sflag:s6] =	dma.local [hbm:s5], $0x2780  }
0x15: {  	_ =	swait.ge [sflag:s13], $0x2780  }
0x16: {  	[sflag:s13] =	ssyncset.done $0x0  }
0x17: {  	[sflag:s13] =	ssyncadd.s32 $0xFFFFD880  }
0x18: {  	[tilespmem:s3], [sflag:$0x2] =	stream.linear.gather [hbm4b:s8+s3], $0x2C00, $0x38;
	[tilespmem:$0x1D400] =	vst v63  }
0x19: {  	_ =	swait.ge [sflag:s13], $0x2C00  }
0x1a: {  	[sflag:s13] =	ssyncset.done $0x0  }
0x1b: {  	[sflag:s13] =	ssyncadd.s32 $0xFFFFD400  }
0x1c: {  	[tilespmem:s15], [sflag:$0x2] =	stream.linear.gather [hbm4b:s14+s3], $0x2C00, $0x38;
	[tilespmem:$0x1D400] =	vst v63  }
0x1d: {  	_ =	swait.ge [sflag:s13], $0x2C00  }
0x1e: {  	[sflag:s13] =	ssyncset.done $0x0  }
0x1f: {  	[sflag:s13] =	ssyncadd.s32 $0xFFFFD400  }
0x20: {  	[bflag:$0x0] =	sbarrier.arrive $0xFFFF  }
0x21: {  	[tilespmem:s17], [sflag:$0x1] =	stream.indirect.gather [hbm4b:s4+s16], $0x80, s9, s16, $0xb8;
	[tilespmem:$0x1D400] =	vst v63  }
0x22: {  	p0 =	sne.s32 s7, $0x1;
	_ =	swait.ge [sflag:s18], $0x4000  }
.Ltmp0:
0x23: {  	[sflag:s18] =	ssyncset.done $0x0;
	(pc) =	sbr.rel @!p0 .LBB2_3-.Ltmp0, $4  }
0x24: {  	[sflag:s18] =	ssyncadd.s32 $0xFFFFC000  }
0x25: {  	[spmem:s2] =	stream.indirect.scatter.add.f32 [tilespmem:s17], [sflag:$0x2], $0x80, s11, s16, $0xb8;
	[tilespmem:$0x1D400] =	vst v63  }
0x26: {  	s21 =	sadd.s32 $0xFFFFFFFF, s7;
	_ =	swait.ge [sflag:s13], $0x4000  }
0x27: {  	s22 =	smov.u32 s9;
	s23 =	smov.u32 s11;
	[sflag:s13] =	ssyncset.done $0x0  }
.LBB2_2:
0x28: {  	[sflag:s13] =	ssyncadd.s32 $0xFFFFC000;
	s22 =	sadd.s32 $0x80, s22;
	s23 =	sadd.s32 $0x80, s23  }
0x29: {  	[tilespmem:s17], [sflag:$0x1] =	stream.indirect.gather [hbm4b:s4+s16], $0x80, s22, s16, $0xb8;
	[tilespmem:$0x1D400] =	vst v63  }
0x2a: {  	p0 =	sne.s32 s21, $0x1;
	s21 =	sadd.s32 $0xFFFFFFFF, s21;
	_ =	swait.ge [sflag:s18], $0x4000  }
.Ltmp1:
0x2b: {  	[sflag:s18] =	ssyncset.done $0x0;
	(pc) =	sbr.rel @p0 .LBB2_2-.Ltmp1, $4  }
0x2c: {  	[sflag:s18] =	ssyncadd.s32 $0xFFFFC000  }
0x2d: {  	[spmem:s2] =	stream.indirect.scatter.add.f32 [tilespmem:s17], [sflag:$0x2], $0x80, s23, s16, $0xb8;
	[tilespmem:$0x1D400] =	vst v63  }
0x2e: {  	_ =	swait.ge [sflag:s13], $0x4000  }
0x2f: {  	[sflag:s13] =	ssyncset.done $0x0  }
.LBB2_3:
0x30: {  	s20 =	sadd.s32 $0x1, s20  }
0x31: {  	[sflag:s13] =	ssyncadd.s32 $0xFFFFC000;
	p0 =	sne.s32 s20, s10  }
.Ltmp2:
0x32: {  	[bflag:$0x0] =	sbarrier.arrive $0xFFFF;
	(pc) =	sbr.rel @p0 .LBB2_1-.Ltmp2, $4  }
0x33: {  	[hbm:s19], [sflag:s6] =	dma.local [spmem:s12], $0x2780  }
0x34: {  	_ =	swait.ge [sflag:s13], $0x2780  }
0x35: {  	[sflag:s13] =	ssyncset.done $0x0  }
0x36: {  	[sflag:s13] =	ssyncadd.s32 $0xFFFFD880  }
0x37: {  	_ =	sfence.sel $0x180000  }
0x38: {  	[bflag:$0x0] =	sbarrier.arrive $0xFFFF  }
0x39: {  	p0 =	sne.s32 s0, $0x0;
	_ =	strace $0x9000004A  }
0x3a: {  	s0 =	sadd.s32 @!p0 $0x100000, s1;
	[bflag:$0x2] =	sbarrier.arrive $0xFFFF  }
0x3b: {  	[sflag:s0] =	ssyncadd.tile.s32 @!p0 $0x1;
	_ =	shalt  }
.Lfunc_end2:
_tile_overlayer_lowered:
.L_overlay_start_2:
0x3c: {  	(tag) =	ssettag $0x2  }
0x3d: {  	s0 =	rddreg [dreg:$0x0];
	s2 =	stileid.u32  }
0x3e: {  	s1 =	rddreg [dreg:$0x1];
	p0 =	sne.s32 s2, $0x0  }
0x3f: {  	s3 =	rddreg [dreg:$0x2];
	[bflag:$0x3] =	sbarrier.arrive $0xFFFF;
	s2 =	simm.s32 @!p0 $0x1C02  }
0x40: {  	[timem:s3], [sflag:s2] =	dma.local @!p0 [hbm:s0], s1  }
0x41: {  	s0 =	simm.s32 @!p0 $0x2  }
0x42: {  	_ =	swait.ge @!p0 [sflag:s0], s1  }
0x43: {  	s1 =	ssub.s32 @!p0 $0x0, s1;
	[sflag:s0] =	ssyncset.done @!p0 $0x0  }
0x44: {  	[sflag:s0] =	ssyncadd.s32 @!p0 s1  }
0x45: {  	[bflag:$0x3] =	sbarrier.arrive $0xFFFF  }
0x46: {  	_ =	shalt  }

// kernel: kernel.8.cloned.1.call-start
scs
__scs_entry_jumppad:
0x0: {  	(pc) =	sbr.rel $0x88, $3  }
0x1: {  	(tag) =	ssettag $0x0;
	lr =	simm.s32 $0x1  }
0x2: {  	[smem:$0x3F90] =	sst lr;
	_ =	strace $0xD0000000  }
0x3: {  	_ = 	snop  }
0x4: {  	_ = 	snop  }
0x5: {  	_ = 	snop  }
0x6: {  	_ = 	snop  }
0x7: {  	_ = 	snop  }
__scs_overlays_trampoline_lowered:
0x8: {  	[smem:$0x3F9F] =	sst s0  }
0x9: {  	[smem:$0x3FA0] =	sst s1  }
0xa: {  	[smem:$0x3FA1] =	sst s2  }
0xb: {  	[smem:$0x3FA2] =	sst s3  }
0xc: {  	[smem:$0x3FA3] =	sst s4  }
0xd: {  	[smem:$0x3FA4] =	sst s5  }
0xe: {  	[smem:$0x3FA5] =	sst s6  }
0xf: {  	[smem:$0x3FA6] =	sst s7  }
0x10: {  	[smem:$0x3FA7] =	sst s8  }
0x11: {  	[smem:$0x3FA8] =	sst s9;
	s0 =	simm.s32 @!p0 $0x0  }
0x12: {  	s1 =	sld [smem:$0x3F8E];
	s0 =	simm.s32 @p0 $0x1  }
0x13: {  	[smem:$0x3FA9] =	sst s0;
	s0 =	simm.s32 @!p1 $0x0  }
0x14: {  	s2 =	sld [smem:$0x3F8D];
	s0 =	simm.s32 @p1 $0x1  }
0x15: {  	[smem:$0x3FAA] =	sst s0;
	s0 =	simm.s32 @!p2 $0x0  }
0x16: {  	s3 =	sld [smem:$0x3FDB];
	s0 =	simm.s32 @p2 $0x1  }
0x17: {  	s4 =	simm.s32 $0x1BF5;
	[smem:$0x3FAC] =	sst s0  }
0x18: {  	s0 =	sld [smem:$0x3F8F];
	_ =	swait.ge [sflag:s4], $0x0  }
0x19: {  	s7 =	sld [smem:$0x3F90]  }
0x1a: {  	s8 =	sadd.s32 $0xFFFFE003, lr  }
0x1b: {  	s9 =	sadd.s32 $0xFFFFFEF7, lr;
	s5 =	simm.s32 $0xFFFFFFFF;
	p2 =	slt.u32 s8, $0xFFFFF086  }
0x1c: {  	p1 =	slt.u32 s9, $0xF7A;
	s5 =	simm.s32 @!p2 $0x0  }
0x1d: {  	s5 =	simm.s32 @p1 $0x1;
	p0 =	seq.s32 s7, s2  }
0x1e: {  	s7 =	smul.u32 @!p0 $0xF7A, s2;
	p2 =	seq.s32 @!p0 s5, $0x0  }
0x1f: {  	s9 =	smul.u32 $0xF7A, s1;
	s8 =	simm.s32 @!p0 $0x1BF5;
	p2 =	por !p2, p0  }
0x20: {  	[sflag:s8] =	ssyncset.s32 @!p0 $0xFFFFF086;
	s6 =	sadd.s32 @!p0 s3, s7;
	s7 =	simm.s32 @!p0 $0x108  }
0x21: {  	s3 =	sadd.s32 s3, s9;
	s6 =	sadd.s32 @!p0 $0x88, s6;
	s7 =	simm.s32 @p2 $0x1082  }
0x22: {  	[simem:s7], [sflag:s8] =	dma.local @!p0 [hbm:s6], $0xF7A  }
0x23: {  	s9 =	sor.u32 $0xD0000000, s2;
	s6 =	simm.s32 $0x108;
	_ =	swait.ge @!p0 [sflag:s8], $0x0  }
0x24: {  	s3 =	sadd.s32 $0x88, s3;
	s6 =	simm.s32 @!p1 $0x1082;
	[sflag:s4] =	ssyncset.s32 $0xFFFFF086  }
0x25: {  	[simem:s6], [sflag:s4] =	dma.local [hbm:s3], $0xF7A  }
0x26: {  	[smem:$0x3F90] =	sst s1;
	(tag) =	ssettag s2;
	_ =	strace s9  }
0x27: {  	s1 =	sld [smem:$0x3FA0]  }
0x28: {  	s2 =	sld [smem:$0x3FA1]  }
0x29: {  	s4 =	sld [smem:$0x3FA3]  }
0x2a: {  	p0 =	seq.s32 s5, $0x0;
	s5 =	sld [smem:$0x3FA4]  }
0x2b: {  	s6 =	sld [smem:$0x3FA5]  }
0x2c: {  	s7 =	sld [smem:$0x3FA6]  }
0x2d: {  	s3 =	simm.s32 $0x108;
	s8 =	sld [smem:$0x3FA7]  }
0x2e: {  	s3 =	simm.s32 @!p0 $0x1082;
	s9 =	sld [smem:$0x3FA8]  }
0x2f: {  	lr =	sadd.s32 s0, s3;
	s0 =	sld [smem:$0x3F9F]  }
0x30: {  	s3 =	sld [smem:$0x3FA2]  }
0x31: {  	[smem:$0x3FAB] =	sst s10  }
0x32: {  	s10 =	sld [smem:$0x3FA9];
	_ =	sdelay $0x3  }
0x33: {  	p0 =	seq.s32 s10, $0x1;
	s10 =	sld [smem:$0x3FAB];
	_ =	sdelay $0x3  }
0x34: {  	[smem:$0x3FAB] =	sst s10  }
0x35: {  	s10 =	sld [smem:$0x3FAA];
	_ =	sdelay $0x3  }
0x36: {  	p1 =	seq.s32 s10, $0x1;
	s10 =	sld [smem:$0x3FAB];
	_ =	sdelay $0x3  }
0x37: {  	[smem:$0x3FAB] =	sst s10  }
0x38: {  	s10 =	sld [smem:$0x3FAC]  }
0x39: {  	_ = 	snop;
	(pc) =	sbr.ind lr, $3  }
0x3a: {  	_ = 	snop  }
0x3b: {  	_ = 	snop  }
0x3c: {  	p2 =	seq.s32 s10, $0x1;
	s10 =	sld [smem:$0x3FAB]  }
0x3d: {  	_ =	shalt  }
0x3e: {  	_ =	shalt  }
0x3f: {  	_ =	shalt  }
0x40: {  	_ =	shalt  }
0x41: {  	_ =	shalt  }
0x42: {  	_ =	shalt  }
0x43: {  	_ =	shalt  }
0x44: {  	_ =	shalt  }
0x45: {  	_ =	shalt  }
0x46: {  	_ =	shalt  }
0x47: {  	_ =	shalt  }
0x48: {  	_ =	shalt  }
0x49: {  	_ =	shalt  }
0x4a: {  	_ =	shalt  }
0x4b: {  	_ =	shalt  }
0x4c: {  	_ =	shalt  }
0x4d: {  	_ =	shalt  }
0x4e: {  	_ =	shalt  }
0x4f: {  	_ =	shalt  }
0x50: {  	_ =	shalt  }
0x51: {  	_ =	shalt  }
0x52: {  	_ =	shalt  }
0x53: {  	_ =	shalt  }
0x54: {  	_ =	shalt  }
0x55: {  	_ =	shalt  }
0x56: {  	_ =	shalt  }
0x57: {  	_ =	shalt  }
0x58: {  	_ =	shalt  }
0x59: {  	_ =	shalt  }
0x5a: {  	_ =	shalt  }
0x5b: {  	_ =	shalt  }
0x5c: {  	_ =	shalt  }
0x5d: {  	_ =	shalt  }
0x5e: {  	_ =	shalt  }
0x5f: {  	_ =	shalt  }
0x60: {  	_ =	shalt  }
0x61: {  	_ =	shalt  }
0x62: {  	_ =	shalt  }
0x63: {  	_ =	shalt  }
0x64: {  	_ =	shalt  }
0x65: {  	_ =	shalt  }
0x66: {  	_ =	shalt  }
0x67: {  	_ =	shalt  }
0x68: {  	_ =	shalt  }
0x69: {  	_ =	shalt  }
0x6a: {  	_ =	shalt  }
0x6b: {  	_ =	shalt  }
0x6c: {  	_ =	shalt  }
0x6d: {  	_ =	shalt  }
0x6e: {  	_ =	shalt  }
0x6f: {  	_ =	shalt  }
0x70: {  	_ =	shalt  }
0x71: {  	_ =	shalt  }
0x72: {  	_ =	shalt  }
0x73: {  	_ =	shalt  }
0x74: {  	_ =	shalt  }
0x75: {  	_ =	shalt  }
0x76: {  	_ =	shalt  }
0x77: {  	_ =	shalt  }
0x78: {  	_ =	shalt  }
0x79: {  	_ =	shalt  }
0x7a: {  	_ =	shalt  }
0x7b: {  	_ =	shalt  }
0x7c: {  	_ =	shalt  }
0x7d: {  	_ =	shalt  }
0x7e: {  	_ =	shalt  }
0x7f: {  	_ =	shalt  }
0x80: {  	_ =	shalt  }
0x81: {  	_ =	shalt  }
0x82: {  	_ =	shalt  }
0x83: {  	_ =	shalt  }
0x84: {  	_ =	shalt  }
0x85: {  	_ =	shalt  }
0x86: {  	_ =	shalt  }
0x87: {  	_ =	shalt  }
.Lfunc_end0:
.L_simem_size_0:
called_computation_lowered:
.L_overlay_start_0:
0x88: {  	s2 =	sld [smem:$0x3FD9]  }
0x89: {  	s3 =	sld [smem:$0x3FFE];
	_ =	sdelay $0x1  }
0x8a: {  	s1 =	srdreg.scid  }
0x8b: {  	s0 =	sand.u32 $0x1, s1  }
0x8c: {  	s17 =	sshll.u32 s0, $0xA;
	s2 =	sadd.s32 s3, s2  }
0x8d: {  	s2 =	sadd.s32 s2, s17  }
0x8e: {  	[smem:$0x3FB7] =	sst s2  }
0x8f: {  	_ = 	snop  }
0x90: {  	s2 =	sld [smem:$0x3FC9];
	(tm) =	ssettm $0x1  }
0x91: {  	s18 =	sld [smem:$0x3FFB];
	_ =	sdelay $0x3  }
0x92: {  	_ =	strace s18  }
0x93: {  	s3 =	sld [smem:$0x3FFC];
	_ =	sdelay $0x3  }
0x94: {  	_ =	strace s3  }
0x95: {  	s3 =	sld [smem:$0x3FFD];
	_ =	sdelay $0x3  }
0x96: {  	_ =	strace s3  }
0x97: {  	_ =	strace $0x8FFFFFFF  }
0x98: {  	s19 =	sld [smem:$0x3FDB];
	_ =	sdelay $0x1  }
0x99: {  	s4 =	simm.s32 $_scs_section_size  }
0x9a: {  	s5 =	simm.s32 $_size__tile_overlayer_lowered;
	s6 =	simm.s32 $_tile_overlayer_lowered  }
0x9b: {  	s22 =	simm.s32 $0x1BFF;
	s21 =	sshll.u32 s6, $0x1;
	s3 =	sadd.s32 s4, s19  }
0x9c: {  	s7 =	simm.s32 $0x0;
	s20 =	sshll.u32 s5, $0x1;
	s5 =	sadd.s32 s21, s3  }
0x9d: {  	[timem:s7], [sflag:s22] =	dma.local [hbm:s5], s20  }
0x9e: {  	_ =	swait.ge [sflag:s22], s20  }
0x9f: {  	s4 =	ssub.s32 $0x0, s20;
	[sflag:s22] =	ssyncset.done $0x0  }
0xa0: {  	[sflag:s22] =	ssyncadd.s32 s4;
	_ =	sdelay $0x1  }
0xa1: {  	s23 =	simm.s32 $0x1B8B  }
0xa2: {  	_ =	swait.ge [sflag:s23], $0x1  }
0xa3: {  	[sflag:s23] =	ssyncset.done $0x0  }
0xa4: {  	s25 =	simm.s32 $0x1B8E;
	s24 =	sld [smem:$0x3FFE];
	[sflag:s23] =	ssyncadd.s32 $0xFFFFFFFF  }
0xa5: {  	s26 =	simm.s32 $execute0_lowered;
	[smem:$0x3FD2] =	sst s25  }
0xa6: {  	s5 =	sshll.u32 s26, $0x1;
	_ =	strace $0x80000046;
	[dreg:$0x1] =	wrdreg $0xFFFFFFFF  }
0xa7: {  	s28 =	simm.s32 $_size_execute0_lowered;
	s3 =	sadd.s32 s3, s5;
	[dreg:$0x0] =	wrdreg $0x0  }
0xa8: {  	s5 =	sshll.u32 s28, $0x1;
	[dreg:$0x2] =	wrdreg s3  }
0xa9: {  	[dreg:$0x3] =	wrdreg s5  }
0xaa: {  	[dreg:$0x4] =	wrdreg $0xC0  }
0xab: {  	_ =	task [dreg:s7], $0x5FFFF  }
0xac: {  	[dreg:$0x1] =	wrdreg $0xFFFFFFFF  }
0xad: {  	[dreg:$0x0] =	wrdreg $0x60  }
0xae: {  	[dreg:$0x2] =	wrdreg s2  }
0xaf: {  	[dreg:$0x3] =	wrdreg s24  }
0xb0: {  	[dreg:$0x4] =	wrdreg $0x98000  }
0xb1: {  	[dreg:$0x5] =	wrdreg $0x9  }
0xb2: {  	_ =	task.clear_ibuf [dreg:s7], $0x6FFFF;
	_ =	strace $0x90000046  }
0xb3: {  	s29 =	simm.s32 $0x9;
	_ =	strace $0x80000048  }
0xb4: {  	_ =	swait.ge [sflag:s29], $0x1  }
0xb5: {  	[sflag:s29] =	ssyncadd.s32 $0xFFFFFFFF  }
0xb6: {  	_ =	strace $0x90000048  }
0xb7: {  	_ =	sfence  }
0xb8: {  	s30 =	sld [smem:$0x0];
	_ =	sdelay $0x2  }
0xb9: {  	s31 =	sshll.u32 s1, $0xD;
	s1 =	sshrl.u32 s1, $0x2  }
0xba: {  	s3 =	sand.u32 $0x4000, s31;
	s1 =	sadd.s32 s1, s30  }
0xbb: {  	s0 =	sor.u32 s3, s0;
	s1 =	sshll.u32 s1, $0x11  }
0xbc: {  	s0 =	sor.u32 s1, s0  }
0xbd: {  	s0 =	sadd.s32 $0x8F2B, s0  }
0xbe: {  	[sflag:s0] =	ssyncadd.remote.s32 $0x1  }
0xbf: {  	_ =	sfence.sel $0xFFFF  }
0xc0: {  	[dreg:$0x0] =	wrdreg $0xFFFFFFFF;
	(pc) =	sbr.abs _section_cstart, $3  }
0xc1: {  	[dreg:$0x1] =	wrdreg $0xFFFFFFFF  }
0xc2: {  	_ =	task.clear_ibuf [dreg:s7], $0x2FFFF;
	_ =	strace $0x9FFFFFFF  }
0xc3: {  	(tm) =	ssettm $0x7FFFFFFF  }
tec
execute0_lowered:
.L_overlay_start_1:
0x0: {  	(tag) =	ssettag $0x1  }
0x1: {  	s1 =	rddreg [dreg:$0x0]  }
0x2: {  	s2 =	srdreg.scid;
	s9 =	rddreg [dreg:$0x1]  }
0x3: {  	s0 =	stileid.u32;
	s3 =	rddreg [dreg:$0x2];
	s4 =	simm.s32 $0x0  }
0x4: {  	s17 =	simm.s32 $0x5800;
	s18 =	simm.s32 $0x1;
	s5 =	sand.u32 $0x1, s2  }
0x5: {  	s7 =	smul.u32 $0x4E, s0;
	s6 =	smin.u32 s0, $0x2;
	[smem:$0x7FF] =	sst s4  }
0x6: {  	s16 =	smul.u32 $0x4F000, s0;
	s30 =	sshll.u32 s0, $0x6;
	p0 =	slt.u32 s0, $0x2  }
0x7: {  	s31 =	sadd.s32 $0xD680, s9;
	s20 =	smul.u32 $0x2780, s0;
	s2 =	ssub.s32 $0x0, s5  }
0x8: {  	s28 =	smul.u32 $0x27800, s5;
	s12 =	ssub.s32 $0x2, s5;
	s5 =	sadd.s32 $0x17400, s9  }
0x9: {  	s8 =	sand.u32 $0x4E2, s2;
	s10 =	sadd.s32 s7, s6;
	s2 =	rddreg [dreg:$0x3]  }
0xa: {  	_ =	strace $0x80000047;
	s15 =	sshrl.u32 s12, $0x1;
	s29 =	sshrl.u32 s16, $0x2  }
0xb: {  	s16 =	simm.s32 $0x80;
	s10 =	sadd.s32 s8, s10;
	s12 =	ssub.s32 s12, s15  }
0xc: {  	s8 =	sadd.s32 s6, s8;
	s15 =	sadd.s32 s29, s3;
	s6 =	sor.u32 $0x1C02, s30  }
0xd: {  	s10 =	sand.u32 $0x1FF8, s10;
	s8 =	sadd.s32 s7, s8;
	s7 =	simm.s32 $0x4F  }
0xe: {  	s11 =	smin.u32 s10, $0x970;
	s10 =	ssub.s32 s8, s10;
	s7 =	simm.s32 @!p0 $0x4E  }
0xf: {  	s14 =	sshll.u32 s11, $0x4;
	s11 =	sadd.s32 s28, s9;
	s10 =	sshll.u32 s10, $0x9  }
0x10: {  	s13 =	sadd.s32 s14, s9;
	s19 =	sadd.s32 $0x19C00, s11;
	s9 =	sshra.s32 s10, $0x2  }
0x11: {  	s10 =	smax.u32 s12, $0x1;
	s12 =	sshrl.u32 s15, $0x3;
	s14 =	sadd.s32 s14, s31  }
0x12: {  	s15 =	simm.s32 $0x2C00;
	s8 =	sadd.s32 $0x3A00, s13;
	s11 =	sadd.s32 $0x2C00, s9  }
0x13: {  	s13 =	simm.s32 $0x2;
	s19 =	sadd.s32 s20, s19;
	s20 =	simm.s32 $0x0  }
.LBB2_1:
0x14: {  	[spmem:s12], [sflag:s6] =	dma.local [hbm:s5], $0x2780  }
0x15: {  	_ =	swait.ge [sflag:s13], $0x2780  }
0x16: {  	[sflag:s13] =	ssyncset.done $0x0  }
0x17: {  	[sflag:s13] =	ssyncadd.s32 $0xFFFFD880  }
0x18: {  	[tilespmem:s4], [sflag:$0x2] =	stream.linear.gather [hbm4b:s8+s4], $0x2C00, $0x38;
	[tilespmem:$0x1D400] =	vst v63  }
0x19: {  	_ =	swait.ge [sflag:s13], $0x2C00  }
0x1a: {  	[sflag:s13] =	ssyncset.done $0x0  }
0x1b: {  	[sflag:s13] =	ssyncadd.s32 $0xFFFFD400  }
0x1c: {  	[tilespmem:s15], [sflag:$0x2] =	stream.linear.gather [hbm4b:s14+s4], $0x2C00, $0x38;
	[tilespmem:$0x1D400] =	vst v63  }
0x1d: {  	_ =	swait.ge [sflag:s13], $0x2C00  }
0x1e: {  	[sflag:s13] =	ssyncset.done $0x0  }
0x1f: {  	[sflag:s13] =	ssyncadd.s32 $0xFFFFD400  }
0x20: {  	[bflag:$0x0] =	sbarrier.arrive $0xFFFF  }
0x21: {  	[tilespmem:s17], [sflag:$0x1] =	stream.indirect.gather [hbm4b:s1+s16], $0x80, s9, s16, $0xb8;
	[tilespmem:$0x1D400] =	vst v63  }
0x22: {  	p0 =	sne.s32 s7, $0x1;
	_ =	swait.ge [sflag:s18], $0x4000  }
.Ltmp0:
0x23: {  	[sflag:s18] =	ssyncset.done $0x0;
	(pc) =	sbr.rel @!p0 .LBB2_3-.Ltmp0, $4  }
0x24: {  	[sflag:s18] =	ssyncadd.s32 $0xFFFFC000  }
0x25: {  	[spmem:s3] =	stream.indirect.scatter.add.f32 [tilespmem:s17], [sflag:$0x2], $0x80, s11, s16, $0xb8;
	[tilespmem:$0x1D400] =	vst v63  }
0x26: {  	s21 =	sadd.s32 $0xFFFFFFFF, s7;
	_ =	swait.ge [sflag:s13], $0x4000  }
0x27: {  	s22 =	smov.u32 s9;
	s23 =	smov.u32 s11;
	[sflag:s13] =	ssyncset.done $0x0  }
.LBB2_2:
0x28: {  	[sflag:s13] =	ssyncadd.s32 $0xFFFFC000;
	s22 =	sadd.s32 $0x80, s22;
	s23 =	sadd.s32 $0x80, s23  }
0x29: {  	[tilespmem:s17], [sflag:$0x1] =	stream.indirect.gather [hbm4b:s1+s16], $0x80, s22, s16, $0xb8;
	[tilespmem:$0x1D400] =	vst v63  }
0x2a: {  	p0 =	sne.s32 s21, $0x1;
	s21 =	sadd.s32 $0xFFFFFFFF, s21;
	_ =	swait.ge [sflag:s18], $0x4000  }
.Ltmp1:
0x2b: {  	[sflag:s18] =	ssyncset.done $0x0;
	(pc) =	sbr.rel @p0 .LBB2_2-.Ltmp1, $4  }
0x2c: {  	[sflag:s18] =	ssyncadd.s32 $0xFFFFC000  }
0x2d: {  	[spmem:s3] =	stream.indirect.scatter.add.f32 [tilespmem:s17], [sflag:$0x2], $0x80, s23, s16, $0xb8;
	[tilespmem:$0x1D400] =	vst v63  }
0x2e: {  	_ =	swait.ge [sflag:s13], $0x4000  }
0x2f: {  	[sflag:s13] =	ssyncset.done $0x0  }
.LBB2_3:
0x30: {  	s20 =	sadd.s32 $0x1, s20  }
0x31: {  	[sflag:s13] =	ssyncadd.s32 $0xFFFFC000;
	p0 =	sne.s32 s20, s10  }
.Ltmp2:
0x32: {  	[bflag:$0x0] =	sbarrier.arrive $0xFFFF;
	(pc) =	sbr.rel @p0 .LBB2_1-.Ltmp2, $4  }
0x33: {  	[hbm:s19], [sflag:s6] =	dma.local [spmem:s12], $0x2780  }
0x34: {  	_ =	swait.ge [sflag:s13], $0x2780  }
0x35: {  	[sflag:s13] =	ssyncset.done $0x0  }
0x36: {  	[sflag:s13] =	ssyncadd.s32 $0xFFFFD880  }
0x37: {  	_ =	sfence.sel $0x180000  }
0x38: {  	[bflag:$0x0] =	sbarrier.arrive $0xFFFF  }
0x39: {  	p0 =	sne.s32 s0, $0x0;
	_ =	strace $0x90000047  }
0x3a: {  	s0 =	sadd.s32 @!p0 $0x100000, s2;
	[bflag:$0x2] =	sbarrier.arrive $0xFFFF  }
0x3b: {  	[sflag:s0] =	ssyncadd.tile.s32 @!p0 $0x1;
	_ =	shalt  }
.Lfunc_end2:
_tile_overlayer_lowered:
.L_overlay_start_2:
0x3c: {  	(tag) =	ssettag $0x2  }
0x3d: {  	s0 =	rddreg [dreg:$0x0];
	s2 =	stileid.u32  }
0x3e: {  	s1 =	rddreg [dreg:$0x1];
	p0 =	sne.s32 s2, $0x0  }
0x3f: {  	s3 =	rddreg [dreg:$0x2];
	[bflag:$0x3] =	sbarrier.arrive $0xFFFF;
	s2 =	simm.s32 @!p0 $0x1C02  }
0x40: {  	[timem:s3], [sflag:s2] =	dma.local @!p0 [hbm:s0], s1  }
0x41: {  	s0 =	simm.s32 @!p0 $0x2  }
0x42: {  	_ =	swait.ge @!p0 [sflag:s0], s1  }
0x43: {  	s1 =	ssub.s32 @!p0 $0x0, s1;
	[sflag:s0] =	ssyncset.done @!p0 $0x0  }
0x44: {  	[sflag:s0] =	ssyncadd.s32 @!p0 s1  }
0x45: {  	[bflag:$0x3] =	sbarrier.arrive $0xFFFF  }
0x46: {  	_ =	shalt  }

</sc_bundles>
